<compile_context>
chip_gen: v7x
topology: tpu7x:2x2x1
jax: 0.10.2.dev20260603
libtpu: 0.0.44.dev20260713+nightly
codegen_flags: <defaults>
</compile_context>

<pallas_src>
import functools

import jax
import jax.numpy as jnp
from jax import lax
from jax.experimental import pallas as pl
from jax.experimental.pallas import tpu as pltpu
from jax.experimental.pallas import tpu_sc as plsc

_N_FIELDS = 26
_VOCAB = 100000
_BATCH = 16384
_NUM_DIM = 13

_VPAD = 100096
_NC, _NS, _L = 2, 16, 16
_NW = _NC * _NS
_BPW = _BATCH // _NW
_G = _BPW // _L


_CHUNKS = (7, 7, 6, 6)
_CSTART = (0, 7, 14, 20)


def _sc_body(table_ref, idx_ref, numt_ref, nkb_ref, out_ref,
             idx_c, rows_c, numt_v, nkb_v, out_v, sem_st, sems):
    c = lax.axis_index("c")
    s = lax.axis_index("s")
    wid = s * _NC + c
    base = wid * _BPW

    idx_cps = [
        [pltpu.async_copy(
            idx_ref.at[_CSTART[k] + j, wid, 0],
            idx_c[k].at[pl.ds(j * _BPW, _BPW)], sem_st)
         for j in range(_CHUNKS[k])]
        for k in range(4)
    ]
    cp_nt = pltpu.async_copy(numt_ref.at[:, pl.ds(base, _BPW)], numt_v,
                             sem_st)
    cp_nk = pltpu.async_copy(nkb_ref, nkb_v, sem_st)

    gs = []
    for k in range(4):
        for cp in idx_cps[k]:
            cp.wait()
        gs.append(pltpu.async_copy(table_ref.at[idx_c[k]], rows_c[k],
                                   sems[k]))

    cp_nt.wait()
    cp_nk.wait()
    nkb_vec = nkb_v[:]

    gs[0].wait()

    def _gbody0(g, _):
        sl = pl.ds(g * _L, _L)
        acc = jnp.broadcast_to(nkb_vec[_NUM_DIM], (_L,))
        for d in range(_NUM_DIM):
            acc = acc + nkb_vec[d] * numt_v[d, sl]
        for i in range(_CHUNKS[0]):
            acc = acc + rows_c[0][pl.ds(i * _BPW + g * _L, _L)]
        out_v[sl] = acc
        return 0
    lax.fori_loop(0, _G, _gbody0, 0)

    for k in range(1, 4):
        gs[k].wait()

        def _gbodyk(g, _, k=k):
            sl = pl.ds(g * _L, _L)
            acc = out_v[sl]
            for i in range(_CHUNKS[k]):
                acc = acc + rows_c[k][pl.ds(i * _BPW + g * _L, _L)]
            out_v[sl] = acc
            return 0
        lax.fori_loop(0, _G, _gbodyk, 0)

    obase = pl.multiple_of(wid * _BPW, _BPW)
    pltpu.sync_copy(out_v, out_ref.at[pl.ds(obase, _BPW)])


@functools.partial(
    pl.kernel,
    out_type=jax.ShapeDtypeStruct((_N_FIELDS * _VOCAB,), jnp.float32),
    mesh=plsc.VectorSubcoreMesh(core_axis_name="c", subcore_axis_name="s",
                                num_cores=_NC, num_subcores=_NS),
    scratch_types=[
        pltpu.VMEM((_VOCAB,), jnp.float32),
    ],
)
def _sc_flatten_tables(tv_ref, flat_ref, buf_v):
    c = lax.axis_index("c")
    s = lax.axis_index("s")
    wid = s * _NC + c

    @pl.when(wid < _N_FIELDS)
    def _():
        pltpu.sync_copy(tv_ref.at[wid, 0], buf_v)
        pltpu.sync_copy(buf_v, flat_ref.at[pl.ds(wid * _VOCAB, _VOCAB)])


@functools.partial(
    pl.kernel,
    out_type=jax.ShapeDtypeStruct((_BATCH,), jnp.float32),
    mesh=plsc.VectorSubcoreMesh(core_axis_name="c", subcore_axis_name="s",
                                num_cores=_NC, num_subcores=_NS),
    scratch_types=(
        [pltpu.VMEM((_CHUNKS[k] * _BPW,), jnp.int32) for k in range(4)]
        + [pltpu.VMEM((_CHUNKS[k] * _BPW,), jnp.float32) for k in range(4)]
        + [
            pltpu.VMEM((_NUM_DIM, _BPW), jnp.float32),
            pltpu.VMEM((_L,), jnp.float32),
            pltpu.VMEM((_BPW,), jnp.float32),
            pltpu.SemaphoreType.DMA,
            pltpu.SemaphoreType.DMA,
            pltpu.SemaphoreType.DMA,
            pltpu.SemaphoreType.DMA,
            pltpu.SemaphoreType.DMA,
        ]
    ),
)
def _sc_linear_features(table_ref, idx_ref, numt_ref, nkb_ref, out_ref, *scr):
    idx_c = scr[:4]
    rows_c = scr[4:8]
    numt_v, nkb_v, out_v, sem_st = scr[8:12]
    sems = scr[12:16]
    _sc_body(table_ref, idx_ref, numt_ref, nkb_ref, out_ref,
             idx_c, rows_c, numt_v, nkb_v, out_v, sem_st, sems)


@jax.jit
def _run(cats, num, tables, numeric_kernel, bias):
    off = (jnp.arange(_N_FIELDS, dtype=jnp.int32) * _VOCAB)[:, None]
    idx = jnp.concatenate(cats, axis=1).T + off
    idx = idx.reshape(_N_FIELDS, _NW, 1, _BPW)
    numt = num.T
    nkb = jnp.concatenate(
        [numeric_kernel[:, 0], bias,
         jnp.zeros((_L - _NUM_DIM - 1,), jnp.float32)])
    table_flat = _sc_flatten_tables(jnp.transpose(tables, (0, 2, 1)))
    out = _sc_linear_features(table_flat, idx, numt, nkb)
    return out.reshape(_BATCH, 1)


def kernel(cat_00, cat_01, cat_02, cat_03, cat_04, cat_05, cat_06, cat_07,
           cat_08, cat_09, cat_10, cat_11, cat_12, cat_13, cat_14, cat_15,
           cat_16, cat_17, cat_18, cat_19, cat_20, cat_21, cat_22, cat_23,
           cat_24, cat_25, num, tables, numeric_kernel, bias):
    cats = (cat_00, cat_01, cat_02, cat_03, cat_04, cat_05, cat_06, cat_07,
            cat_08, cat_09, cat_10, cat_11, cat_12, cat_13, cat_14, cat_15,
            cat_16, cat_17, cat_18, cat_19, cat_20, cat_21, cat_22, cat_23,
            cat_24, cat_25)
    return _run(cats, num, tables, numeric_kernel, bias)

# --- scband reference (transcript-rebuilt; emitter-appended) ---
"""Pipeline reference for scband-linear-features-79585743995450 (READ-ONLY COPY).

The authoritative reference and input builder live on the scoring server;
editing this copy changes nothing except your own understanding.
"""

import jax, jax.numpy as jnp
import numpy as np

N_FIELDS = 26
VOCAB = 100000
BATCH = 16384
NUM_DIM = 13


def setup_inputs(seed: int = 0) -> dict:
    key = jax.random.key(seed)
    inp = {}
    for i in range(N_FIELDS):
        key, k = jax.random.split(key)
        inp["cat_%02d" % i] = jax.random.randint(k, (BATCH, 1), 0, VOCAB, dtype=jnp.int32)
    key, k = jax.random.split(key)
    inp["num"] = jax.random.normal(k, (BATCH, NUM_DIM), dtype=jnp.float32)
    # learned params: per-field linear embedding tables (stacked), numeric kernel, bias.
    # original layer zero-initializes; we use small random values so the output is nontrivial.
    key, k = jax.random.split(key)
    inp["tables"] = jax.random.normal(k, (N_FIELDS, VOCAB, 1), dtype=jnp.float32) * 0.01
    key, k = jax.random.split(key)
    inp["numeric_kernel"] = jax.random.normal(k, (NUM_DIM, 1), dtype=jnp.float32) * 0.01
    inp["bias"] = jnp.zeros((1,), dtype=jnp.float32)
    return inp


def reference(cat_00, cat_01, cat_02, cat_03, cat_04, cat_05, cat_06, cat_07,
              cat_08, cat_09, cat_10, cat_11, cat_12, cat_13, cat_14, cat_15,
              cat_16, cat_17, cat_18, cat_19, cat_20, cat_21, cat_22, cat_23,
              cat_24, cat_25, num, tables, numeric_kernel, bias):
    kernel = numeric_kernel
    cats = (cat_00, cat_01, cat_02, cat_03, cat_04, cat_05, cat_06, cat_07,
            cat_08, cat_09, cat_10, cat_11, cat_12, cat_13, cat_14, cat_15,
            cat_16, cat_17, cat_18, cat_19, cat_20, cat_21, cat_22, cat_23,
            cat_24, cat_25)
    x = bias
    # categorical wide terms: per-field gather from its (vocab, 1) table, summed
    for i in range(N_FIELDS):
        ids = cats[i][:, 0]
        x = x + jnp.take(tables[i], ids, axis=0)  # [B, 1]
    # numeric wide term: concat numeric features and matmul with (num_dim, 1) kernel
    x = x + jnp.matmul(num, kernel)
    return x

if __name__ == "__main__":
    import jax
    _d = setup_inputs()
    print(jax.jit(kernel)(*tuple(_d.values())))

</pallas_src>

<mosaic_0001>
#map = affine_map<(d0, d1) -> (0)>
#map1 = affine_map<(d0, d1) -> (0, 0, 0, 0)>
#map2 = affine_map<(d0, d1) -> (0, 0)>
module attributes {stable_mosaic.version = 14 : i64} {
  func.func @_sc_linear_features(%arg0: i32, %arg1: i32, %arg2: memref<2600000xf32, #tpu.memory_space<hbm>>, %arg3: memref<26x32x1x512xi32, #tpu.memory_space<hbm>>, %arg4: memref<13x16384xf32, #tpu.memory_space<hbm>>, %arg5: memref<16xf32, #tpu.memory_space<hbm>>, %arg6: memref<16384xf32, #tpu.memory_space<hbm>>, %arg7: memref<3584xi32, #tpu.memory_space<vmem>>, %arg8: memref<3584xi32, #tpu.memory_space<vmem>>, %arg9: memref<3072xi32, #tpu.memory_space<vmem>>, %arg10: memref<3072xi32, #tpu.memory_space<vmem>>, %arg11: memref<3584xf32, #tpu.memory_space<vmem>>, %arg12: memref<3584xf32, #tpu.memory_space<vmem>>, %arg13: memref<3072xf32, #tpu.memory_space<vmem>>, %arg14: memref<3072xf32, #tpu.memory_space<vmem>>, %arg15: memref<13x512xf32, #tpu.memory_space<vmem>>, %arg16: memref<16xf32, #tpu.memory_space<vmem>>, %arg17: memref<512xf32, #tpu.memory_space<vmem>>, %arg18: memref<!tpu.dma_semaphore, #tpu.memory_space<semaphore_mem>>, %arg19: memref<!tpu.dma_semaphore, #tpu.memory_space<semaphore_mem>>, %arg20: memref<!tpu.dma_semaphore, #tpu.memory_space<semaphore_mem>>, %arg21: memref<!tpu.dma_semaphore, #tpu.memory_space<semaphore_mem>>, %arg22: memref<!tpu.dma_semaphore, #tpu.memory_space<semaphore_mem>>) attributes {dimension_semantics = [#tpu.dimension_semantics<core_parallel>, #tpu.dimension_semantics<subcore_parallel>], iteration_bounds = array<i64: 2, 16>, scalar_prefetch = 0 : i64, scratch_operands = 16 : i64, tpu.core_type = #tpu.core_type<sc_vector_subcore>, window_params = [{transform_indices = #map}, {transform_indices = #map1}, {transform_indices = #map2}, {transform_indices = #map}, {transform_indices = #map}]} {
    %mul3A = arith.constant 2 : i32
    %mul3A_0 = arith.muli %arg1, %mul3A : i32
    %add3A = arith.addi %mul3A_0, %arg0 : i32
    %mul3A_1 = arith.constant 512 : i32
    %mul3A_2 = arith.muli %add3A, %mul3A_1 : i32
    %dma_start3A = arith.constant 0 : i32
    %dma_start3A_3 = arith.constant 0 : i32
    %dma_start3A_4 = arith.constant 0 : i32
    %dma_start3A_5 = tpu.memref_slice %arg7[%dma_start3A_4] : memref<3584xi32, #tpu.memory_space<vmem>> -> memref<512xi32, #tpu.memory_space<vmem>>
    %dma_start3A_6 = arith.constant 0 : i32
    %dma_start3A_7 = tpu.memref_slice %arg3[%dma_start3A, %add3A, %dma_start3A_3, %dma_start3A_6] : memref<26x32x1x512xi32, #tpu.memory_space<hbm>> -> memref<1x1x1x512xi32, #tpu.memory_space<hbm>>
    %dma_start3A_8 = tpu.memref_squeeze %dma_start3A_7 : memref<1x1x1x512xi32, #tpu.memory_space<hbm>> -> memref<512xi32, #tpu.memory_space<hbm>>
    %dma_start3A_9 = arith.constant 0 : i32
    %dma_start3A_10 = tpu.memref_slice %arg7[%dma_start3A_9] : memref<3584xi32, #tpu.memory_space<vmem>> -> memref<512xi32, #tpu.memory_space<vmem>>
    %dma_start3A_11 = arith.constant 0 : i32
    %dma_start3A_12 = tpu.memref_slice %arg3[%dma_start3A, %add3A, %dma_start3A_3, %dma_start3A_11] : memref<26x32x1x512xi32, #tpu.memory_space<hbm>> -> memref<1x1x1x512xi32, #tpu.memory_space<hbm>>
    %dma_start3A_13 = tpu.memref_squeeze %dma_start3A_12 : memref<1x1x1x512xi32, #tpu.memory_space<hbm>> -> memref<512xi32, #tpu.memory_space<hbm>>
    tpu.enqueue_dma source(%dma_start3A_13 : memref<512xi32, #tpu.memory_space<hbm>>) target(%dma_start3A_10 : memref<512xi32, #tpu.memory_space<vmem>>) target_semaphore(%arg18 : memref<!tpu.dma_semaphore, #tpu.memory_space<semaphore_mem>>)
    %dma_start3A_14 = arith.constant 1 : i32
    %dma_start3A_15 = arith.constant 0 : i32
    %dma_start3A_16 = arith.constant 512 : i32
    %dma_start3A_17 = tpu.memref_slice %arg7[%dma_start3A_16] : memref<3584xi32, #tpu.memory_space<vmem>> -> memref<512xi32, #tpu.memory_space<vmem>>
    %dma_start3A_18 = arith.constant 0 : i32
    %dma_start3A_19 = tpu.memref_slice %arg3[%dma_start3A_14, %add3A, %dma_start3A_15, %dma_start3A_18] : memref<26x32x1x512xi32, #tpu.memory_space<hbm>> -> memref<1x1x1x512xi32, #tpu.memory_space<hbm>>
    %dma_start3A_20 = tpu.memref_squeeze %dma_start3A_19 : memref<1x1x1x512xi32, #tpu.memory_space<hbm>> -> memref<512xi32, #tpu.memory_space<hbm>>
    %dma_start3A_21 = arith.constant 512 : i32
    %dma_start3A_22 = tpu.memref_slice %arg7[%dma_start3A_21] : memref<3584xi32, #tpu.memory_space<vmem>> -> memref<512xi32, #tpu.memory_space<vmem>>
    %dma_start3A_23 = arith.constant 0 : i32
    %dma_start3A_24 = tpu.memref_slice %arg3[%dma_start3A_14, %add3A, %dma_start3A_15, %dma_start3A_23] : memref<26x32x1x512xi32, #tpu.memory_space<hbm>> -> memref<1x1x1x512xi32, #tpu.memory_space<hbm>>
    %dma_start3A_25 = tpu.memref_squeeze %dma_start3A_24 : memref<1x1x1x512xi32, #tpu.memory_space<hbm>> -> memref<512xi32, #tpu.memory_space<hbm>>
    tpu.enqueue_dma source(%dma_start3A_25 : memref<512xi32, #tpu.memory_space<hbm>>) target(%dma_start3A_22 : memref<512xi32, #tpu.memory_space<vmem>>) target_semaphore(%arg18 : memref<!tpu.dma_semaphore, #tpu.memory_space<semaphore_mem>>)
    %dma_start3A_26 = arith.constant 2 : i32
    %dma_start3A_27 = arith.constant 0 : i32
    %dma_start3A_28 = arith.constant 1024 : i32
    %dma_start3A_29 = tpu.memref_slice %arg7[%dma_start3A_28] : memref<3584xi32, #tpu.memory_space<vmem>> -> memref<512xi32, #tpu.memory_space<vmem>>
    %dma_start3A_30 = arith.constant 0 : i32
    %dma_start3A_31 = tpu.memref_slice %arg3[%dma_start3A_26, %add3A, %dma_start3A_27, %dma_start3A_30] : memref<26x32x1x512xi32, #tpu.memory_space<hbm>> -> memref<1x1x1x512xi32, #tpu.memory_space<hbm>>
    %dma_start3A_32 = tpu.memref_squeeze %dma_start3A_31 : memref<1x1x1x512xi32, #tpu.memory_space<hbm>> -> memref<512xi32, #tpu.memory_space<hbm>>
    %dma_start3A_33 = arith.constant 1024 : i32
    %dma_start3A_34 = tpu.memref_slice %arg7[%dma_start3A_33] : memref<3584xi32, #tpu.memory_space<vmem>> -> memref<512xi32, #tpu.memory_space<vmem>>
    %dma_start3A_35 = arith.constant 0 : i32
    %dma_start3A_36 = tpu.memref_slice %arg3[%dma_start3A_26, %add3A, %dma_start3A_27, %dma_start3A_35] : memref<26x32x1x512xi32, #tpu.memory_space<hbm>> -> memref<1x1x1x512xi32, #tpu.memory_space<hbm>>
    %dma_start3A_37 = tpu.memref_squeeze %dma_start3A_36 : memref<1x1x1x512xi32, #tpu.memory_space<hbm>> -> memref<512xi32, #tpu.memory_space<hbm>>
    tpu.enqueue_dma source(%dma_start3A_37 : memref<512xi32, #tpu.memory_space<hbm>>) target(%dma_start3A_34 : memref<512xi32, #tpu.memory_space<vmem>>) target_semaphore(%arg18 : memref<!tpu.dma_semaphore, #tpu.memory_space<semaphore_mem>>)
    %dma_start3A_38 = arith.constant 3 : i32
    %dma_start3A_39 = arith.constant 0 : i32
    %dma_start3A_40 = arith.constant 1536 : i32
    %dma_start3A_41 = tpu.memref_slice %arg7[%dma_start3A_40] : memref<3584xi32, #tpu.memory_space<vmem>> -> memref<512xi32, #tpu.memory_space<vmem>>
    %dma_start3A_42 = arith.constant 0 : i32
    %dma_start3A_43 = tpu.memref_slice %arg3[%dma_start3A_38, %add3A, %dma_start3A_39, %dma_start3A_42] : memref<26x32x1x512xi32, #tpu.memory_space<hbm>> -> memref<1x1x1x512xi32, #tpu.memory_space<hbm>>
    %dma_start3A_44 = tpu.memref_squeeze %dma_start3A_43 : memref<1x1x1x512xi32, #tpu.memory_space<hbm>> -> memref<512xi32, #tpu.memory_space<hbm>>
    %dma_start3A_45 = arith.constant 1536 : i32
    %dma_start3A_46 = tpu.memref_slice %arg7[%dma_start3A_45] : memref<3584xi32, #tpu.memory_space<vmem>> -> memref<512xi32, #tpu.memory_space<vmem>>
    %dma_start3A_47 = arith.constant 0 : i32
    %dma_start3A_48 = tpu.memref_slice %arg3[%dma_start3A_38, %add3A, %dma_start3A_39, %dma_start3A_47] : memref<26x32x1x512xi32, #tpu.memory_space<hbm>> -> memref<1x1x1x512xi32, #tpu.memory_space<hbm>>
    %dma_start3A_49 = tpu.memref_squeeze %dma_start3A_48 : memref<1x1x1x512xi32, #tpu.memory_space<hbm>> -> memref<512xi32, #tpu.memory_space<hbm>>
    tpu.enqueue_dma source(%dma_start3A_49 : memref<512xi32, #tpu.memory_space<hbm>>) target(%dma_start3A_46 : memref<512xi32, #tpu.memory_space<vmem>>) target_semaphore(%arg18 : memref<!tpu.dma_semaphore, #tpu.memory_space<semaphore_mem>>)
    %dma_start3A_50 = arith.constant 4 : i32
    %dma_start3A_51 = arith.constant 0 : i32
    %dma_start3A_52 = arith.constant 2048 : i32
    %dma_start3A_53 = tpu.memref_slice %arg7[%dma_start3A_52] : memref<3584xi32, #tpu.memory_space<vmem>> -> memref<512xi32, #tpu.memory_space<vmem>>
    %dma_start3A_54 = arith.constant 0 : i32
    %dma_start3A_55 = tpu.memref_slice %arg3[%dma_start3A_50, %add3A, %dma_start3A_51, %dma_start3A_54] : memref<26x32x1x512xi32, #tpu.memory_space<hbm>> -> memref<1x1x1x512xi32, #tpu.memory_space<hbm>>
    %dma_start3A_56 = tpu.memref_squeeze %dma_start3A_55 : memref<1x1x1x512xi32, #tpu.memory_space<hbm>> -> memref<512xi32, #tpu.memory_space<hbm>>
    %dma_start3A_57 = arith.constant 2048 : i32
    %dma_start3A_58 = tpu.memref_slice %arg7[%dma_start3A_57] : memref<3584xi32, #tpu.memory_space<vmem>> -> memref<512xi32, #tpu.memory_space<vmem>>
    %dma_start3A_59 = arith.constant 0 : i32
    %dma_start3A_60 = tpu.memref_slice %arg3[%dma_start3A_50, %add3A, %dma_start3A_51, %dma_start3A_59] : memref<26x32x1x512xi32, #tpu.memory_space<hbm>> -> memref<1x1x1x512xi32, #tpu.memory_space<hbm>>
    %dma_start3A_61 = tpu.memref_squeeze %dma_start3A_60 : memref<1x1x1x512xi32, #tpu.memory_space<hbm>> -> memref<512xi32, #tpu.memory_space<hbm>>
    tpu.enqueue_dma source(%dma_start3A_61 : memref<512xi32, #tpu.memory_space<hbm>>) target(%dma_start3A_58 : memref<512xi32, #tpu.memory_space<vmem>>) target_semaphore(%arg18 : memref<!tpu.dma_semaphore, #tpu.memory_space<semaphore_mem>>)
    %dma_start3A_62 = arith.constant 5 : i32
    %dma_start3A_63 = arith.constant 0 : i32
    %dma_start3A_64 = arith.constant 2560 : i32
    %dma_start3A_65 = tpu.memref_slice %arg7[%dma_start3A_64] : memref<3584xi32, #tpu.memory_space<vmem>> -> memref<512xi32, #tpu.memory_space<vmem>>
    %dma_start3A_66 = arith.constant 0 : i32
    %dma_start3A_67 = tpu.memref_slice %arg3[%dma_start3A_62, %add3A, %dma_start3A_63, %dma_start3A_66] : memref<26x32x1x512xi32, #tpu.memory_space<hbm>> -> memref<1x1x1x512xi32, #tpu.memory_space<hbm>>
    %dma_start3A_68 = tpu.memref_squeeze %dma_start3A_67 : memref<1x1x1x512xi32, #tpu.memory_space<hbm>> -> memref<512xi32, #tpu.memory_space<hbm>>
    %dma_start3A_69 = arith.constant 2560 : i32
    %dma_start3A_70 = tpu.memref_slice %arg7[%dma_start3A_69] : memref<3584xi32, #tpu.memory_space<vmem>> -> memref<512xi32, #tpu.memory_space<vmem>>
    %dma_start3A_71 = arith.constant 0 : i32
    %dma_start3A_72 = tpu.memref_slice %arg3[%dma_start3A_62, %add3A, %dma_start3A_63, %dma_start3A_71] : memref<26x32x1x512xi32, #tpu.memory_space<hbm>> -> memref<1x1x1x512xi32, #tpu.memory_space<hbm>>
    %dma_start3A_73 = tpu.memref_squeeze %dma_start3A_72 : memref<1x1x1x512xi32, #tpu.memory_space<hbm>> -> memref<512xi32, #tpu.memory_space<hbm>>
    tpu.enqueue_dma source(%dma_start3A_73 : memref<512xi32, #tpu.memory_space<hbm>>) target(%dma_start3A_70 : memref<512xi32, #tpu.memory_space<vmem>>) target_semaphore(%arg18 : memref<!tpu.dma_semaphore, #tpu.memory_space<semaphore_mem>>)
    %dma_start3A_74 = arith.constant 6 : i32
    %dma_start3A_75 = arith.constant 0 : i32
    %dma_start3A_76 = arith.constant 3072 : i32
    %dma_start3A_77 = tpu.memref_slice %arg7[%dma_start3A_76] : memref<3584xi32, #tpu.memory_space<vmem>> -> memref<512xi32, #tpu.memory_space<vmem>>
    %dma_start3A_78 = arith.constant 0 : i32
    %dma_start3A_79 = tpu.memref_slice %arg3[%dma_start3A_74, %add3A, %dma_start3A_75, %dma_start3A_78] : memref<26x32x1x512xi32, #tpu.memory_space<hbm>> -> memref<1x1x1x512xi32, #tpu.memory_space<hbm>>
    %dma_start3A_80 = tpu.memref_squeeze %dma_start3A_79 : memref<1x1x1x512xi32, #tpu.memory_space<hbm>> -> memref<512xi32, #tpu.memory_space<hbm>>
    %dma_start3A_81 = arith.constant 3072 : i32
    %dma_start3A_82 = tpu.memref_slice %arg7[%dma_start3A_81] : memref<3584xi32, #tpu.memory_space<vmem>> -> memref<512xi32, #tpu.memory_space<vmem>>
    %dma_start3A_83 = arith.constant 0 : i32
    %dma_start3A_84 = tpu.memref_slice %arg3[%dma_start3A_74, %add3A, %dma_start3A_75, %dma_start3A_83] : memref<26x32x1x512xi32, #tpu.memory_space<hbm>> -> memref<1x1x1x512xi32, #tpu.memory_space<hbm>>
    %dma_start3A_85 = tpu.memref_squeeze %dma_start3A_84 : memref<1x1x1x512xi32, #tpu.memory_space<hbm>> -> memref<512xi32, #tpu.memory_space<hbm>>
    tpu.enqueue_dma source(%dma_start3A_85 : memref<512xi32, #tpu.memory_space<hbm>>) target(%dma_start3A_82 : memref<512xi32, #tpu.memory_space<vmem>>) target_semaphore(%arg18 : memref<!tpu.dma_semaphore, #tpu.memory_space<semaphore_mem>>)
    %dma_start3A_86 = arith.constant 7 : i32
    %dma_start3A_87 = arith.constant 0 : i32
    %dma_start3A_88 = arith.constant 0 : i32
    %dma_start3A_89 = tpu.memref_slice %arg8[%dma_start3A_88] : memref<3584xi32, #tpu.memory_space<vmem>> -> memref<512xi32, #tpu.memory_space<vmem>>
    %dma_start3A_90 = arith.constant 0 : i32
    %dma_start3A_91 = tpu.memref_slice %arg3[%dma_start3A_86, %add3A, %dma_start3A_87, %dma_start3A_90] : memref<26x32x1x512xi32, #tpu.memory_space<hbm>> -> memref<1x1x1x512xi32, #tpu.memory_space<hbm>>
    %dma_start3A_92 = tpu.memref_squeeze %dma_start3A_91 : memref<1x1x1x512xi32, #tpu.memory_space<hbm>> -> memref<512xi32, #tpu.memory_space<hbm>>
    %dma_start3A_93 = arith.constant 0 : i32
    %dma_start3A_94 = tpu.memref_slice %arg8[%dma_start3A_93] : memref<3584xi32, #tpu.memory_space<vmem>> -> memref<512xi32, #tpu.memory_space<vmem>>
    %dma_start3A_95 = arith.constant 0 : i32
    %dma_start3A_96 = tpu.memref_slice %arg3[%dma_start3A_86, %add3A, %dma_start3A_87, %dma_start3A_95] : memref<26x32x1x512xi32, #tpu.memory_space<hbm>> -> memref<1x1x1x512xi32, #tpu.memory_space<hbm>>
    %dma_start3A_97 = tpu.memref_squeeze %dma_start3A_96 : memref<1x1x1x512xi32, #tpu.memory_space<hbm>> -> memref<512xi32, #tpu.memory_space<hbm>>
    tpu.enqueue_dma source(%dma_start3A_97 : memref<512xi32, #tpu.memory_space<hbm>>) target(%dma_start3A_94 : memref<512xi32, #tpu.memory_space<vmem>>) target_semaphore(%arg18 : memref<!tpu.dma_semaphore, #tpu.memory_space<semaphore_mem>>)
    %dma_start3A_98 = arith.constant 8 : i32
    %dma_start3A_99 = arith.constant 0 : i32
    %dma_start3A_100 = arith.constant 512 : i32
    %dma_start3A_101 = tpu.memref_slice %arg8[%dma_start3A_100] : memref<3584xi32, #tpu.memory_space<vmem>> -> memref<512xi32, #tpu.memory_space<vmem>>
    %dma_start3A_102 = arith.constant 0 : i32
    %dma_start3A_103 = tpu.memref_slice %arg3[%dma_start3A_98, %add3A, %dma_start3A_99, %dma_start3A_102] : memref<26x32x1x512xi32, #tpu.memory_space<hbm>> -> memref<1x1x1x512xi32, #tpu.memory_space<hbm>>
    %dma_start3A_104 = tpu.memref_squeeze %dma_start3A_103 : memref<1x1x1x512xi32, #tpu.memory_space<hbm>> -> memref<512xi32, #tpu.memory_space<hbm>>
    %dma_start3A_105 = arith.constant 512 : i32
    %dma_start3A_106 = tpu.memref_slice %arg8[%dma_start3A_105] : memref<3584xi32, #tpu.memory_space<vmem>> -> memref<512xi32, #tpu.memory_space<vmem>>
    %dma_start3A_107 = arith.constant 0 : i32
    %dma_start3A_108 = tpu.memref_slice %arg3[%dma_start3A_98, %add3A, %dma_start3A_99, %dma_start3A_107] : memref<26x32x1x512xi32, #tpu.memory_space<hbm>> -> memref<1x1x1x512xi32, #tpu.memory_space<hbm>>
    %dma_start3A_109 = tpu.memref_squeeze %dma_start3A_108 : memref<1x1x1x512xi32, #tpu.memory_space<hbm>> -> memref<512xi32, #tpu.memory_space<hbm>>
    tpu.enqueue_dma source(%dma_start3A_109 : memref<512xi32, #tpu.memory_space<hbm>>) target(%dma_start3A_106 : memref<512xi32, #tpu.memory_space<vmem>>) target_semaphore(%arg18 : memref<!tpu.dma_semaphore, #tpu.memory_space<semaphore_mem>>)
    %dma_start3A_110 = arith.constant 9 : i32
    %dma_start3A_111 = arith.constant 0 : i32
    %dma_start3A_112 = arith.constant 1024 : i32
    %dma_start3A_113 = tpu.memref_slice %arg8[%dma_start3A_112] : memref<3584xi32, #tpu.memory_space<vmem>> -> memref<512xi32, #tpu.memory_space<vmem>>
    %dma_start3A_114 = arith.constant 0 : i32
    %dma_start3A_115 = tpu.memref_slice %arg3[%dma_start3A_110, %add3A, %dma_start3A_111, %dma_start3A_114] : memref<26x32x1x512xi32, #tpu.memory_space<hbm>> -> memref<1x1x1x512xi32, #tpu.memory_space<hbm>>
    %dma_start3A_116 = tpu.memref_squeeze %dma_start3A_115 : memref<1x1x1x512xi32, #tpu.memory_space<hbm>> -> memref<512xi32, #tpu.memory_space<hbm>>
    %dma_start3A_117 = arith.constant 1024 : i32
    %dma_start3A_118 = tpu.memref_slice %arg8[%dma_start3A_117] : memref<3584xi32, #tpu.memory_space<vmem>> -> memref<512xi32, #tpu.memory_space<vmem>>
    %dma_start3A_119 = arith.constant 0 : i32
    %dma_start3A_120 = tpu.memref_slice %arg3[%dma_start3A_110, %add3A, %dma_start3A_111, %dma_start3A_119] : memref<26x32x1x512xi32, #tpu.memory_space<hbm>> -> memref<1x1x1x512xi32, #tpu.memory_space<hbm>>
    %dma_start3A_121 = tpu.memref_squeeze %dma_start3A_120 : memref<1x1x1x512xi32, #tpu.memory_space<hbm>> -> memref<512xi32, #tpu.memory_space<hbm>>
    tpu.enqueue_dma source(%dma_start3A_121 : memref<512xi32, #tpu.memory_space<hbm>>) target(%dma_start3A_118 : memref<512xi32, #tpu.memory_space<vmem>>) target_semaphore(%arg18 : memref<!tpu.dma_semaphore, #tpu.memory_space<semaphore_mem>>)
    %dma_start3A_122 = arith.constant 10 : i32
    %dma_start3A_123 = arith.constant 0 : i32
    %dma_start3A_124 = arith.constant 1536 : i32
    %dma_start3A_125 = tpu.memref_slice %arg8[%dma_start3A_124] : memref<3584xi32, #tpu.memory_space<vmem>> -> memref<512xi32, #tpu.memory_space<vmem>>
    %dma_start3A_126 = arith.constant 0 : i32
    %dma_start3A_127 = tpu.memref_slice %arg3[%dma_start3A_122, %add3A, %dma_start3A_123, %dma_start3A_126] : memref<26x32x1x512xi32, #tpu.memory_space<hbm>> -> memref<1x1x1x512xi32, #tpu.memory_space<hbm>>
    %dma_start3A_128 = tpu.memref_squeeze %dma_start3A_127 : memref<1x1x1x512xi32, #tpu.memory_space<hbm>> -> memref<512xi32, #tpu.memory_space<hbm>>
    %dma_start3A_129 = arith.constant 1536 : i32
    %dma_start3A_130 = tpu.memref_slice %arg8[%dma_start3A_129] : memref<3584xi32, #tpu.memory_space<vmem>> -> memref<512xi32, #tpu.memory_space<vmem>>
    %dma_start3A_131 = arith.constant 0 : i32
    %dma_start3A_132 = tpu.memref_slice %arg3[%dma_start3A_122, %add3A, %dma_start3A_123, %dma_start3A_131] : memref<26x32x1x512xi32, #tpu.memory_space<hbm>> -> memref<1x1x1x512xi32, #tpu.memory_space<hbm>>
    %dma_start3A_133 = tpu.memref_squeeze %dma_start3A_132 : memref<1x1x1x512xi32, #tpu.memory_space<hbm>> -> memref<512xi32, #tpu.memory_space<hbm>>
    tpu.enqueue_dma source(%dma_start3A_133 : memref<512xi32, #tpu.memory_space<hbm>>) target(%dma_start3A_130 : memref<512xi32, #tpu.memory_space<vmem>>) target_semaphore(%arg18 : memref<!tpu.dma_semaphore, #tpu.memory_space<semaphore_mem>>)
    %dma_start3A_134 = arith.constant 11 : i32
    %dma_start3A_135 = arith.constant 0 : i32
    %dma_start3A_136 = arith.constant 2048 : i32
    %dma_start3A_137 = tpu.memref_slice %arg8[%dma_start3A_136] : memref<3584xi32, #tpu.memory_space<vmem>> -> memref<512xi32, #tpu.memory_space<vmem>>
    %dma_start3A_138 = arith.constant 0 : i32
    %dma_start3A_139 = tpu.memref_slice %arg3[%dma_start3A_134, %add3A, %dma_start3A_135, %dma_start3A_138] : memref<26x32x1x512xi32, #tpu.memory_space<hbm>> -> memref<1x1x1x512xi32, #tpu.memory_space<hbm>>
    %dma_start3A_140 = tpu.memref_squeeze %dma_start3A_139 : memref<1x1x1x512xi32, #tpu.memory_space<hbm>> -> memref<512xi32, #tpu.memory_space<hbm>>
    %dma_start3A_141 = arith.constant 2048 : i32
    %dma_start3A_142 = tpu.memref_slice %arg8[%dma_start3A_141] : memref<3584xi32, #tpu.memory_space<vmem>> -> memref<512xi32, #tpu.memory_space<vmem>>
    %dma_start3A_143 = arith.constant 0 : i32
    %dma_start3A_144 = tpu.memref_slice %arg3[%dma_start3A_134, %add3A, %dma_start3A_135, %dma_start3A_143] : memref<26x32x1x512xi32, #tpu.memory_space<hbm>> -> memref<1x1x1x512xi32, #tpu.memory_space<hbm>>
    %dma_start3A_145 = tpu.memref_squeeze %dma_start3A_144 : memref<1x1x1x512xi32, #tpu.memory_space<hbm>> -> memref<512xi32, #tpu.memory_space<hbm>>
    tpu.enqueue_dma source(%dma_start3A_145 : memref<512xi32, #tpu.memory_space<hbm>>) target(%dma_start3A_142 : memref<512xi32, #tpu.memory_space<vmem>>) target_semaphore(%arg18 : memref<!tpu.dma_semaphore, #tpu.memory_space<semaphore_mem>>)
    %dma_start3A_146 = arith.constant 12 : i32
    %dma_start3A_147 = arith.constant 0 : i32
    %dma_start3A_148 = arith.constant 2560 : i32
    %dma_start3A_149 = tpu.memref_slice %arg8[%dma_start3A_148] : memref<3584xi32, #tpu.memory_space<vmem>> -> memref<512xi32, #tpu.memory_space<vmem>>
    %dma_start3A_150 = arith.constant 0 : i32
    %dma_start3A_151 = tpu.memref_slice %arg3[%dma_start3A_146, %add3A, %dma_start3A_147, %dma_start3A_150] : memref<26x32x1x512xi32, #tpu.memory_space<hbm>> -> memref<1x1x1x512xi32, #tpu.memory_space<hbm>>
    %dma_start3A_152 = tpu.memref_squeeze %dma_start3A_151 : memref<1x1x1x512xi32, #tpu.memory_space<hbm>> -> memref<512xi32, #tpu.memory_space<hbm>>
    %dma_start3A_153 = arith.constant 2560 : i32
    %dma_start3A_154 = tpu.memref_slice %arg8[%dma_start3A_153] : memref<3584xi32, #tpu.memory_space<vmem>> -> memref<512xi32, #tpu.memory_space<vmem>>
    %dma_start3A_155 = arith.constant 0 : i32
    %dma_start3A_156 = tpu.memref_slice %arg3[%dma_start3A_146, %add3A, %dma_start3A_147, %dma_start3A_155] : memref<26x32x1x512xi32, #tpu.memory_space<hbm>> -> memref<1x1x1x512xi32, #tpu.memory_space<hbm>>
    %dma_start3A_157 = tpu.memref_squeeze %dma_start3A_156 : memref<1x1x1x512xi32, #tpu.memory_space<hbm>> -> memref<512xi32, #tpu.memory_space<hbm>>
    tpu.enqueue_dma source(%dma_start3A_157 : memref<512xi32, #tpu.memory_space<hbm>>) target(%dma_start3A_154 : memref<512xi32, #tpu.memory_space<vmem>>) target_semaphore(%arg18 : memref<!tpu.dma_semaphore, #tpu.memory_space<semaphore_mem>>)
    %dma_start3A_158 = arith.constant 13 : i32
    %dma_start3A_159 = arith.constant 0 : i32
    %dma_start3A_160 = arith.constant 3072 : i32
    %dma_start3A_161 = tpu.memref_slice %arg8[%dma_start3A_160] : memref<3584xi32, #tpu.memory_space<vmem>> -> memref<512xi32, #tpu.memory_space<vmem>>
    %dma_start3A_162 = arith.constant 0 : i32
    %dma_start3A_163 = tpu.memref_slice %arg3[%dma_start3A_158, %add3A, %dma_start3A_159, %dma_start3A_162] : memref<26x32x1x512xi32, #tpu.memory_space<hbm>> -> memref<1x1x1x512xi32, #tpu.memory_space<hbm>>
    %dma_start3A_164 = tpu.memref_squeeze %dma_start3A_163 : memref<1x1x1x512xi32, #tpu.memory_space<hbm>> -> memref<512xi32, #tpu.memory_space<hbm>>
    %dma_start3A_165 = arith.constant 3072 : i32
    %dma_start3A_166 = tpu.memref_slice %arg8[%dma_start3A_165] : memref<3584xi32, #tpu.memory_space<vmem>> -> memref<512xi32, #tpu.memory_space<vmem>>
    %dma_start3A_167 = arith.constant 0 : i32
    %dma_start3A_168 = tpu.memref_slice %arg3[%dma_start3A_158, %add3A, %dma_start3A_159, %dma_start3A_167] : memref<26x32x1x512xi32, #tpu.memory_space<hbm>> -> memref<1x1x1x512xi32, #tpu.memory_space<hbm>>
    %dma_start3A_169 = tpu.memref_squeeze %dma_start3A_168 : memref<1x1x1x512xi32, #tpu.memory_space<hbm>> -> memref<512xi32, #tpu.memory_space<hbm>>
    tpu.enqueue_dma source(%dma_start3A_169 : memref<512xi32, #tpu.memory_space<hbm>>) target(%dma_start3A_166 : memref<512xi32, #tpu.memory_space<vmem>>) target_semaphore(%arg18 : memref<!tpu.dma_semaphore, #tpu.memory_space<semaphore_mem>>)
    %dma_start3A_170 = arith.constant 14 : i32
    %dma_start3A_171 = arith.constant 0 : i32
    %dma_start3A_172 = arith.constant 0 : i32
    %dma_start3A_173 = tpu.memref_slice %arg9[%dma_start3A_172] : memref<3072xi32, #tpu.memory_space<vmem>> -> memref<512xi32, #tpu.memory_space<vmem>>
    %dma_start3A_174 = arith.constant 0 : i32
    %dma_start3A_175 = tpu.memref_slice %arg3[%dma_start3A_170, %add3A, %dma_start3A_171, %dma_start3A_174] : memref<26x32x1x512xi32, #tpu.memory_space<hbm>> -> memref<1x1x1x512xi32, #tpu.memory_space<hbm>>
    %dma_start3A_176 = tpu.memref_squeeze %dma_start3A_175 : memref<1x1x1x512xi32, #tpu.memory_space<hbm>> -> memref<512xi32, #tpu.memory_space<hbm>>
    %dma_start3A_177 = arith.constant 0 : i32
    %dma_start3A_178 = tpu.memref_slice %arg9[%dma_start3A_177] : memref<3072xi32, #tpu.memory_space<vmem>> -> memref<512xi32, #tpu.memory_space<vmem>>
    %dma_start3A_179 = arith.constant 0 : i32
    %dma_start3A_180 = tpu.memref_slice %arg3[%dma_start3A_170, %add3A, %dma_start3A_171, %dma_start3A_179] : memref<26x32x1x512xi32, #tpu.memory_space<hbm>> -> memref<1x1x1x512xi32, #tpu.memory_space<hbm>>
    %dma_start3A_181 = tpu.memref_squeeze %dma_start3A_180 : memref<1x1x1x512xi32, #tpu.memory_space<hbm>> -> memref<512xi32, #tpu.memory_space<hbm>>
    tpu.enqueue_dma source(%dma_start3A_181 : memref<512xi32, #tpu.memory_space<hbm>>) target(%dma_start3A_178 : memref<512xi32, #tpu.memory_space<vmem>>) target_semaphore(%arg18 : memref<!tpu.dma_semaphore, #tpu.memory_space<semaphore_mem>>)
    %dma_start3A_182 = arith.constant 15 : i32
    %dma_start3A_183 = arith.constant 0 : i32
    %dma_start3A_184 = arith.constant 512 : i32
    %dma_start3A_185 = tpu.memref_slice %arg9[%dma_start3A_184] : memref<3072xi32, #tpu.memory_space<vmem>> -> memref<512xi32, #tpu.memory_space<vmem>>
    %dma_start3A_186 = arith.constant 0 : i32
    %dma_start3A_187 = tpu.memref_slice %arg3[%dma_start3A_182, %add3A, %dma_start3A_183, %dma_start3A_186] : memref<26x32x1x512xi32, #tpu.memory_space<hbm>> -> memref<1x1x1x512xi32, #tpu.memory_space<hbm>>
    %dma_start3A_188 = tpu.memref_squeeze %dma_start3A_187 : memref<1x1x1x512xi32, #tpu.memory_space<hbm>> -> memref<512xi32, #tpu.memory_space<hbm>>
    %dma_start3A_189 = arith.constant 512 : i32
    %dma_start3A_190 = tpu.memref_slice %arg9[%dma_start3A_189] : memref<3072xi32, #tpu.memory_space<vmem>> -> memref<512xi32, #tpu.memory_space<vmem>>
    %dma_start3A_191 = arith.constant 0 : i32
    %dma_start3A_192 = tpu.memref_slice %arg3[%dma_start3A_182, %add3A, %dma_start3A_183, %dma_start3A_191] : memref<26x32x1x512xi32, #tpu.memory_space<hbm>> -> memref<1x1x1x512xi32, #tpu.memory_space<hbm>>
    %dma_start3A_193 = tpu.memref_squeeze %dma_start3A_192 : memref<1x1x1x512xi32, #tpu.memory_space<hbm>> -> memref<512xi32, #tpu.memory_space<hbm>>
    tpu.enqueue_dma source(%dma_start3A_193 : memref<512xi32, #tpu.memory_space<hbm>>) target(%dma_start3A_190 : memref<512xi32, #tpu.memory_space<vmem>>) target_semaphore(%arg18 : memref<!tpu.dma_semaphore, #tpu.memory_space<semaphore_mem>>)
    %dma_start3A_194 = arith.constant 16 : i32
    %dma_start3A_195 = arith.constant 0 : i32
    %dma_start3A_196 = arith.constant 1024 : i32
    %dma_start3A_197 = tpu.memref_slice %arg9[%dma_start3A_196] : memref<3072xi32, #tpu.memory_space<vmem>> -> memref<512xi32, #tpu.memory_space<vmem>>
    %dma_start3A_198 = arith.constant 0 : i32
    %dma_start3A_199 = tpu.memref_slice %arg3[%dma_start3A_194, %add3A, %dma_start3A_195, %dma_start3A_198] : memref<26x32x1x512xi32, #tpu.memory_space<hbm>> -> memref<1x1x1x512xi32, #tpu.memory_space<hbm>>
    %dma_start3A_200 = tpu.memref_squeeze %dma_start3A_199 : memref<1x1x1x512xi32, #tpu.memory_space<hbm>> -> memref<512xi32, #tpu.memory_space<hbm>>
    %dma_start3A_201 = arith.constant 1024 : i32
    %dma_start3A_202 = tpu.memref_slice %arg9[%dma_start3A_201] : memref<3072xi32, #tpu.memory_space<vmem>> -> memref<512xi32, #tpu.memory_space<vmem>>
    %dma_start3A_203 = arith.constant 0 : i32
    %dma_start3A_204 = tpu.memref_slice %arg3[%dma_start3A_194, %add3A, %dma_start3A_195, %dma_start3A_203] : memref<26x32x1x512xi32, #tpu.memory_space<hbm>> -> memref<1x1x1x512xi32, #tpu.memory_space<hbm>>
    %dma_start3A_205 = tpu.memref_squeeze %dma_start3A_204 : memref<1x1x1x512xi32, #tpu.memory_space<hbm>> -> memref<512xi32, #tpu.memory_space<hbm>>
    tpu.enqueue_dma source(%dma_start3A_205 : memref<512xi32, #tpu.memory_space<hbm>>) target(%dma_start3A_202 : memref<512xi32, #tpu.memory_space<vmem>>) target_semaphore(%arg18 : memref<!tpu.dma_semaphore, #tpu.memory_space<semaphore_mem>>)
    %dma_start3A_206 = arith.constant 17 : i32
    %dma_start3A_207 = arith.constant 0 : i32
    %dma_start3A_208 = arith.constant 1536 : i32
    %dma_start3A_209 = tpu.memref_slice %arg9[%dma_start3A_208] : memref<3072xi32, #tpu.memory_space<vmem>> -> memref<512xi32, #tpu.memory_space<vmem>>
    %dma_start3A_210 = arith.constant 0 : i32
    %dma_start3A_211 = tpu.memref_slice %arg3[%dma_start3A_206, %add3A, %dma_start3A_207, %dma_start3A_210] : memref<26x32x1x512xi32, #tpu.memory_space<hbm>> -> memref<1x1x1x512xi32, #tpu.memory_space<hbm>>
    %dma_start3A_212 = tpu.memref_squeeze %dma_start3A_211 : memref<1x1x1x512xi32, #tpu.memory_space<hbm>> -> memref<512xi32, #tpu.memory_space<hbm>>
    %dma_start3A_213 = arith.constant 1536 : i32
    %dma_start3A_214 = tpu.memref_slice %arg9[%dma_start3A_213] : memref<3072xi32, #tpu.memory_space<vmem>> -> memref<512xi32, #tpu.memory_space<vmem>>
    %dma_start3A_215 = arith.constant 0 : i32
    %dma_start3A_216 = tpu.memref_slice %arg3[%dma_start3A_206, %add3A, %dma_start3A_207, %dma_start3A_215] : memref<26x32x1x512xi32, #tpu.memory_space<hbm>> -> memref<1x1x1x512xi32, #tpu.memory_space<hbm>>
    %dma_start3A_217 = tpu.memref_squeeze %dma_start3A_216 : memref<1x1x1x512xi32, #tpu.memory_space<hbm>> -> memref<512xi32, #tpu.memory_space<hbm>>
    tpu.enqueue_dma source(%dma_start3A_217 : memref<512xi32, #tpu.memory_space<hbm>>) target(%dma_start3A_214 : memref<512xi32, #tpu.memory_space<vmem>>) target_semaphore(%arg18 : memref<!tpu.dma_semaphore, #tpu.memory_space<semaphore_mem>>)
    %dma_start3A_218 = arith.constant 18 : i32
    %dma_start3A_219 = arith.constant 0 : i32
    %dma_start3A_220 = arith.constant 2048 : i32
    %dma_start3A_221 = tpu.memref_slice %arg9[%dma_start3A_220] : memref<3072xi32, #tpu.memory_space<vmem>> -> memref<512xi32, #tpu.memory_space<vmem>>
    %dma_start3A_222 = arith.constant 0 : i32
    %dma_start3A_223 = tpu.memref_slice %arg3[%dma_start3A_218, %add3A, %dma_start3A_219, %dma_start3A_222] : memref<26x32x1x512xi32, #tpu.memory_space<hbm>> -> memref<1x1x1x512xi32, #tpu.memory_space<hbm>>
    %dma_start3A_224 = tpu.memref_squeeze %dma_start3A_223 : memref<1x1x1x512xi32, #tpu.memory_space<hbm>> -> memref<512xi32, #tpu.memory_space<hbm>>
    %dma_start3A_225 = arith.constant 2048 : i32
    %dma_start3A_226 = tpu.memref_slice %arg9[%dma_start3A_225] : memref<3072xi32, #tpu.memory_space<vmem>> -> memref<512xi32, #tpu.memory_space<vmem>>
    %dma_start3A_227 = arith.constant 0 : i32
    %dma_start3A_228 = tpu.memref_slice %arg3[%dma_start3A_218, %add3A, %dma_start3A_219, %dma_start3A_227] : memref<26x32x1x512xi32, #tpu.memory_space<hbm>> -> memref<1x1x1x512xi32, #tpu.memory_space<hbm>>
    %dma_start3A_229 = tpu.memref_squeeze %dma_start3A_228 : memref<1x1x1x512xi32, #tpu.memory_space<hbm>> -> memref<512xi32, #tpu.memory_space<hbm>>
    tpu.enqueue_dma source(%dma_start3A_229 : memref<512xi32, #tpu.memory_space<hbm>>) target(%dma_start3A_226 : memref<512xi32, #tpu.memory_space<vmem>>) target_semaphore(%arg18 : memref<!tpu.dma_semaphore, #tpu.memory_space<semaphore_mem>>)
    %dma_start3A_230 = arith.constant 19 : i32
    %dma_start3A_231 = arith.constant 0 : i32
    %dma_start3A_232 = arith.constant 2560 : i32
    %dma_start3A_233 = tpu.memref_slice %arg9[%dma_start3A_232] : memref<3072xi32, #tpu.memory_space<vmem>> -> memref<512xi32, #tpu.memory_space<vmem>>
    %dma_start3A_234 = arith.constant 0 : i32
    %dma_start3A_235 = tpu.memref_slice %arg3[%dma_start3A_230, %add3A, %dma_start3A_231, %dma_start3A_234] : memref<26x32x1x512xi32, #tpu.memory_space<hbm>> -> memref<1x1x1x512xi32, #tpu.memory_space<hbm>>
    %dma_start3A_236 = tpu.memref_squeeze %dma_start3A_235 : memref<1x1x1x512xi32, #tpu.memory_space<hbm>> -> memref<512xi32, #tpu.memory_space<hbm>>
    %dma_start3A_237 = arith.constant 2560 : i32
    %dma_start3A_238 = tpu.memref_slice %arg9[%dma_start3A_237] : memref<3072xi32, #tpu.memory_space<vmem>> -> memref<512xi32, #tpu.memory_space<vmem>>
    %dma_start3A_239 = arith.constant 0 : i32
    %dma_start3A_240 = tpu.memref_slice %arg3[%dma_start3A_230, %add3A, %dma_start3A_231, %dma_start3A_239] : memref<26x32x1x512xi32, #tpu.memory_space<hbm>> -> memref<1x1x1x512xi32, #tpu.memory_space<hbm>>
    %dma_start3A_241 = tpu.memref_squeeze %dma_start3A_240 : memref<1x1x1x512xi32, #tpu.memory_space<hbm>> -> memref<512xi32, #tpu.memory_space<hbm>>
    tpu.enqueue_dma source(%dma_start3A_241 : memref<512xi32, #tpu.memory_space<hbm>>) target(%dma_start3A_238 : memref<512xi32, #tpu.memory_space<vmem>>) target_semaphore(%arg18 : memref<!tpu.dma_semaphore, #tpu.memory_space<semaphore_mem>>)
    %dma_start3A_242 = arith.constant 20 : i32
    %dma_start3A_243 = arith.constant 0 : i32
    %dma_start3A_244 = arith.constant 0 : i32
    %dma_start3A_245 = tpu.memref_slice %arg10[%dma_start3A_244] : memref<3072xi32, #tpu.memory_space<vmem>> -> memref<512xi32, #tpu.memory_space<vmem>>
    %dma_start3A_246 = arith.constant 0 : i32
    %dma_start3A_247 = tpu.memref_slice %arg3[%dma_start3A_242, %add3A, %dma_start3A_243, %dma_start3A_246] : memref<26x32x1x512xi32, #tpu.memory_space<hbm>> -> memref<1x1x1x512xi32, #tpu.memory_space<hbm>>
    %dma_start3A_248 = tpu.memref_squeeze %dma_start3A_247 : memref<1x1x1x512xi32, #tpu.memory_space<hbm>> -> memref<512xi32, #tpu.memory_space<hbm>>
    %dma_start3A_249 = arith.constant 0 : i32
    %dma_start3A_250 = tpu.memref_slice %arg10[%dma_start3A_249] : memref<3072xi32, #tpu.memory_space<vmem>> -> memref<512xi32, #tpu.memory_space<vmem>>
    %dma_start3A_251 = arith.constant 0 : i32
    %dma_start3A_252 = tpu.memref_slice %arg3[%dma_start3A_242, %add3A, %dma_start3A_243, %dma_start3A_251] : memref<26x32x1x512xi32, #tpu.memory_space<hbm>> -> memref<1x1x1x512xi32, #tpu.memory_space<hbm>>
    %dma_start3A_253 = tpu.memref_squeeze %dma_start3A_252 : memref<1x1x1x512xi32, #tpu.memory_space<hbm>> -> memref<512xi32, #tpu.memory_space<hbm>>
    tpu.enqueue_dma source(%dma_start3A_253 : memref<512xi32, #tpu.memory_space<hbm>>) target(%dma_start3A_250 : memref<512xi32, #tpu.memory_space<vmem>>) target_semaphore(%arg18 : memref<!tpu.dma_semaphore, #tpu.memory_space<semaphore_mem>>)
    %dma_start3A_254 = arith.constant 21 : i32
    %dma_start3A_255 = arith.constant 0 : i32
    %dma_start3A_256 = arith.constant 512 : i32
    %dma_start3A_257 = tpu.memref_slice %arg10[%dma_start3A_256] : memref<3072xi32, #tpu.memory_space<vmem>> -> memref<512xi32, #tpu.memory_space<vmem>>
    %dma_start3A_258 = arith.constant 0 : i32
    %dma_start3A_259 = tpu.memref_slice %arg3[%dma_start3A_254, %add3A, %dma_start3A_255, %dma_start3A_258] : memref<26x32x1x512xi32, #tpu.memory_space<hbm>> -> memref<1x1x1x512xi32, #tpu.memory_space<hbm>>
    %dma_start3A_260 = tpu.memref_squeeze %dma_start3A_259 : memref<1x1x1x512xi32, #tpu.memory_space<hbm>> -> memref<512xi32, #tpu.memory_space<hbm>>
    %dma_start3A_261 = arith.constant 512 : i32
    %dma_start3A_262 = tpu.memref_slice %arg10[%dma_start3A_261] : memref<3072xi32, #tpu.memory_space<vmem>> -> memref<512xi32, #tpu.memory_space<vmem>>
    %dma_start3A_263 = arith.constant 0 : i32
    %dma_start3A_264 = tpu.memref_slice %arg3[%dma_start3A_254, %add3A, %dma_start3A_255, %dma_start3A_263] : memref<26x32x1x512xi32, #tpu.memory_space<hbm>> -> memref<1x1x1x512xi32, #tpu.memory_space<hbm>>
    %dma_start3A_265 = tpu.memref_squeeze %dma_start3A_264 : memref<1x1x1x512xi32, #tpu.memory_space<hbm>> -> memref<512xi32, #tpu.memory_space<hbm>>
    tpu.enqueue_dma source(%dma_start3A_265 : memref<512xi32, #tpu.memory_space<hbm>>) target(%dma_start3A_262 : memref<512xi32, #tpu.memory_space<vmem>>) target_semaphore(%arg18 : memref<!tpu.dma_semaphore, #tpu.memory_space<semaphore_mem>>)
    %dma_start3A_266 = arith.constant 22 : i32
    %dma_start3A_267 = arith.constant 0 : i32
    %dma_start3A_268 = arith.constant 1024 : i32
    %dma_start3A_269 = tpu.memref_slice %arg10[%dma_start3A_268] : memref<3072xi32, #tpu.memory_space<vmem>> -> memref<512xi32, #tpu.memory_space<vmem>>
    %dma_start3A_270 = arith.constant 0 : i32
    %dma_start3A_271 = tpu.memref_slice %arg3[%dma_start3A_266, %add3A, %dma_start3A_267, %dma_start3A_270] : memref<26x32x1x512xi32, #tpu.memory_space<hbm>> -> memref<1x1x1x512xi32, #tpu.memory_space<hbm>>
    %dma_start3A_272 = tpu.memref_squeeze %dma_start3A_271 : memref<1x1x1x512xi32, #tpu.memory_space<hbm>> -> memref<512xi32, #tpu.memory_space<hbm>>
    %dma_start3A_273 = arith.constant 1024 : i32
    %dma_start3A_274 = tpu.memref_slice %arg10[%dma_start3A_273] : memref<3072xi32, #tpu.memory_space<vmem>> -> memref<512xi32, #tpu.memory_space<vmem>>
    %dma_start3A_275 = arith.constant 0 : i32
    %dma_start3A_276 = tpu.memref_slice %arg3[%dma_start3A_266, %add3A, %dma_start3A_267, %dma_start3A_275] : memref<26x32x1x512xi32, #tpu.memory_space<hbm>> -> memref<1x1x1x512xi32, #tpu.memory_space<hbm>>
    %dma_start3A_277 = tpu.memref_squeeze %dma_start3A_276 : memref<1x1x1x512xi32, #tpu.memory_space<hbm>> -> memref<512xi32, #tpu.memory_space<hbm>>
    tpu.enqueue_dma source(%dma_start3A_277 : memref<512xi32, #tpu.memory_space<hbm>>) target(%dma_start3A_274 : memref<512xi32, #tpu.memory_space<vmem>>) target_semaphore(%arg18 : memref<!tpu.dma_semaphore, #tpu.memory_space<semaphore_mem>>)
    %dma_start3A_278 = arith.constant 23 : i32
    %dma_start3A_279 = arith.constant 0 : i32
    %dma_start3A_280 = arith.constant 1536 : i32
    %dma_start3A_281 = tpu.memref_slice %arg10[%dma_start3A_280] : memref<3072xi32, #tpu.memory_space<vmem>> -> memref<512xi32, #tpu.memory_space<vmem>>
    %dma_start3A_282 = arith.constant 0 : i32
    %dma_start3A_283 = tpu.memref_slice %arg3[%dma_start3A_278, %add3A, %dma_start3A_279, %dma_start3A_282] : memref<26x32x1x512xi32, #tpu.memory_space<hbm>> -> memref<1x1x1x512xi32, #tpu.memory_space<hbm>>
    %dma_start3A_284 = tpu.memref_squeeze %dma_start3A_283 : memref<1x1x1x512xi32, #tpu.memory_space<hbm>> -> memref<512xi32, #tpu.memory_space<hbm>>
    %dma_start3A_285 = arith.constant 1536 : i32
    %dma_start3A_286 = tpu.memref_slice %arg10[%dma_start3A_285] : memref<3072xi32, #tpu.memory_space<vmem>> -> memref<512xi32, #tpu.memory_space<vmem>>
    %dma_start3A_287 = arith.constant 0 : i32
    %dma_start3A_288 = tpu.memref_slice %arg3[%dma_start3A_278, %add3A, %dma_start3A_279, %dma_start3A_287] : memref<26x32x1x512xi32, #tpu.memory_space<hbm>> -> memref<1x1x1x512xi32, #tpu.memory_space<hbm>>
    %dma_start3A_289 = tpu.memref_squeeze %dma_start3A_288 : memref<1x1x1x512xi32, #tpu.memory_space<hbm>> -> memref<512xi32, #tpu.memory_space<hbm>>
    tpu.enqueue_dma source(%dma_start3A_289 : memref<512xi32, #tpu.memory_space<hbm>>) target(%dma_start3A_286 : memref<512xi32, #tpu.memory_space<vmem>>) target_semaphore(%arg18 : memref<!tpu.dma_semaphore, #tpu.memory_space<semaphore_mem>>)
    %dma_start3A_290 = arith.constant 24 : i32
    %dma_start3A_291 = arith.constant 0 : i32
    %dma_start3A_292 = arith.constant 2048 : i32
    %dma_start3A_293 = tpu.memref_slice %arg10[%dma_start3A_292] : memref<3072xi32, #tpu.memory_space<vmem>> -> memref<512xi32, #tpu.memory_space<vmem>>
    %dma_start3A_294 = arith.constant 0 : i32
    %dma_start3A_295 = tpu.memref_slice %arg3[%dma_start3A_290, %add3A, %dma_start3A_291, %dma_start3A_294] : memref<26x32x1x512xi32, #tpu.memory_space<hbm>> -> memref<1x1x1x512xi32, #tpu.memory_space<hbm>>
    %dma_start3A_296 = tpu.memref_squeeze %dma_start3A_295 : memref<1x1x1x512xi32, #tpu.memory_space<hbm>> -> memref<512xi32, #tpu.memory_space<hbm>>
    %dma_start3A_297 = arith.constant 2048 : i32
    %dma_start3A_298 = tpu.memref_slice %arg10[%dma_start3A_297] : memref<3072xi32, #tpu.memory_space<vmem>> -> memref<512xi32, #tpu.memory_space<vmem>>
    %dma_start3A_299 = arith.constant 0 : i32
    %dma_start3A_300 = tpu.memref_slice %arg3[%dma_start3A_290, %add3A, %dma_start3A_291, %dma_start3A_299] : memref<26x32x1x512xi32, #tpu.memory_space<hbm>> -> memref<1x1x1x512xi32, #tpu.memory_space<hbm>>
    %dma_start3A_301 = tpu.memref_squeeze %dma_start3A_300 : memref<1x1x1x512xi32, #tpu.memory_space<hbm>> -> memref<512xi32, #tpu.memory_space<hbm>>
    tpu.enqueue_dma source(%dma_start3A_301 : memref<512xi32, #tpu.memory_space<hbm>>) target(%dma_start3A_298 : memref<512xi32, #tpu.memory_space<vmem>>) target_semaphore(%arg18 : memref<!tpu.dma_semaphore, #tpu.memory_space<semaphore_mem>>)
    %dma_start3A_302 = arith.constant 25 : i32
    %dma_start3A_303 = arith.constant 0 : i32
    %dma_start3A_304 = arith.constant 2560 : i32
    %dma_start3A_305 = tpu.memref_slice %arg10[%dma_start3A_304] : memref<3072xi32, #tpu.memory_space<vmem>> -> memref<512xi32, #tpu.memory_space<vmem>>
    %dma_start3A_306 = arith.constant 0 : i32
    %dma_start3A_307 = tpu.memref_slice %arg3[%dma_start3A_302, %add3A, %dma_start3A_303, %dma_start3A_306] : memref<26x32x1x512xi32, #tpu.memory_space<hbm>> -> memref<1x1x1x512xi32, #tpu.memory_space<hbm>>
    %dma_start3A_308 = tpu.memref_squeeze %dma_start3A_307 : memref<1x1x1x512xi32, #tpu.memory_space<hbm>> -> memref<512xi32, #tpu.memory_space<hbm>>
    %dma_start3A_309 = arith.constant 2560 : i32
    %dma_start3A_310 = tpu.memref_slice %arg10[%dma_start3A_309] : memref<3072xi32, #tpu.memory_space<vmem>> -> memref<512xi32, #tpu.memory_space<vmem>>
    %dma_start3A_311 = arith.constant 0 : i32
    %dma_start3A_312 = tpu.memref_slice %arg3[%dma_start3A_302, %add3A, %dma_start3A_303, %dma_start3A_311] : memref<26x32x1x512xi32, #tpu.memory_space<hbm>> -> memref<1x1x1x512xi32, #tpu.memory_space<hbm>>
    %dma_start3A_313 = tpu.memref_squeeze %dma_start3A_312 : memref<1x1x1x512xi32, #tpu.memory_space<hbm>> -> memref<512xi32, #tpu.memory_space<hbm>>
    tpu.enqueue_dma source(%dma_start3A_313 : memref<512xi32, #tpu.memory_space<hbm>>) target(%dma_start3A_310 : memref<512xi32, #tpu.memory_space<vmem>>) target_semaphore(%arg18 : memref<!tpu.dma_semaphore, #tpu.memory_space<semaphore_mem>>)
    %dma_start3A_314 = arith.constant 0 : i32
    %dma_start3A_315 = tpu.memref_slice %arg4[%dma_start3A_314, %mul3A_2] : memref<13x16384xf32, #tpu.memory_space<hbm>> -> memref<13x512xf32, #tpu.memory_space<hbm>>
    %dma_start3A_316 = arith.constant 0 : i32
    %dma_start3A_317 = tpu.memref_slice %arg4[%dma_start3A_316, %mul3A_2] : memref<13x16384xf32, #tpu.memory_space<hbm>> -> memref<13x512xf32, #tpu.memory_space<hbm>>
    tpu.enqueue_dma source(%dma_start3A_317 : memref<13x512xf32, #tpu.memory_space<hbm>>) target(%arg15 : memref<13x512xf32, #tpu.memory_space<vmem>>) target_semaphore(%arg18 : memref<!tpu.dma_semaphore, #tpu.memory_space<semaphore_mem>>)
    tpu.enqueue_dma source(%arg5 : memref<16xf32, #tpu.memory_space<hbm>>) target(%arg16 : memref<16xf32, #tpu.memory_space<vmem>>) target_semaphore(%arg18 : memref<!tpu.dma_semaphore, #tpu.memory_space<semaphore_mem>>)
    %dma_wait3A = arith.constant 0 : i32
    %dma_wait3A_318 = arith.constant 0 : i32
    %dma_wait3A_319 = arith.constant 0 : i32
    %dma_wait3A_320 = tpu.memref_slice %arg7[%dma_wait3A_319] : memref<3584xi32, #tpu.memory_space<vmem>> -> memref<512xi32, #tpu.memory_space<vmem>>
    %dma_wait3A_321 = arith.constant 0 : i32
    %dma_wait3A_322 = tpu.memref_slice %arg3[%dma_wait3A, %add3A, %dma_wait3A_318, %dma_wait3A_321] : memref<26x32x1x512xi32, #tpu.memory_space<hbm>> -> memref<1x1x1x512xi32, #tpu.memory_space<hbm>>
    %dma_wait3A_323 = tpu.memref_squeeze %dma_wait3A_322 : memref<1x1x1x512xi32, #tpu.memory_space<hbm>> -> memref<512xi32, #tpu.memory_space<hbm>>
    %dma_wait3A_324 = arith.constant 0 : i32
    %dma_wait3A_325 = tpu.memref_slice %arg7[%dma_wait3A_324] : memref<3584xi32, #tpu.memory_space<vmem>> -> memref<512xi32, #tpu.memory_space<vmem>>
    %dma_wait3A_326 = arith.constant 0 : i32
    %dma_wait3A_327 = tpu.memref_slice %arg3[%dma_wait3A, %add3A, %dma_wait3A_318, %dma_wait3A_326] : memref<26x32x1x512xi32, #tpu.memory_space<hbm>> -> memref<1x1x1x512xi32, #tpu.memory_space<hbm>>
    %dma_wait3A_328 = tpu.memref_squeeze %dma_wait3A_327 : memref<1x1x1x512xi32, #tpu.memory_space<hbm>> -> memref<512xi32, #tpu.memory_space<hbm>>
    tpu.wait_dma2 semaphore(%arg18 : memref<!tpu.dma_semaphore, #tpu.memory_space<semaphore_mem>>) src(%dma_wait3A_328 : memref<512xi32, #tpu.memory_space<hbm>>) dst(%dma_wait3A_325 : memref<512xi32, #tpu.memory_space<vmem>>)
    %dma_wait3A_329 = arith.constant 1 : i32
    %dma_wait3A_330 = arith.constant 0 : i32
    %dma_wait3A_331 = arith.constant 512 : i32
    %dma_wait3A_332 = tpu.memref_slice %arg7[%dma_wait3A_331] : memref<3584xi32, #tpu.memory_space<vmem>> -> memref<512xi32, #tpu.memory_space<vmem>>
    %dma_wait3A_333 = arith.constant 0 : i32
    %dma_wait3A_334 = tpu.memref_slice %arg3[%dma_wait3A_329, %add3A, %dma_wait3A_330, %dma_wait3A_333] : memref<26x32x1x512xi32, #tpu.memory_space<hbm>> -> memref<1x1x1x512xi32, #tpu.memory_space<hbm>>
    %dma_wait3A_335 = tpu.memref_squeeze %dma_wait3A_334 : memref<1x1x1x512xi32, #tpu.memory_space<hbm>> -> memref<512xi32, #tpu.memory_space<hbm>>
    %dma_wait3A_336 = arith.constant 512 : i32
    %dma_wait3A_337 = tpu.memref_slice %arg7[%dma_wait3A_336] : memref<3584xi32, #tpu.memory_space<vmem>> -> memref<512xi32, #tpu.memory_space<vmem>>
    %dma_wait3A_338 = arith.constant 0 : i32
    %dma_wait3A_339 = tpu.memref_slice %arg3[%dma_wait3A_329, %add3A, %dma_wait3A_330, %dma_wait3A_338] : memref<26x32x1x512xi32, #tpu.memory_space<hbm>> -> memref<1x1x1x512xi32, #tpu.memory_space<hbm>>
    %dma_wait3A_340 = tpu.memref_squeeze %dma_wait3A_339 : memref<1x1x1x512xi32, #tpu.memory_space<hbm>> -> memref<512xi32, #tpu.memory_space<hbm>>
    tpu.wait_dma2 semaphore(%arg18 : memref<!tpu.dma_semaphore, #tpu.memory_space<semaphore_mem>>) src(%dma_wait3A_340 : memref<512xi32, #tpu.memory_space<hbm>>) dst(%dma_wait3A_337 : memref<512xi32, #tpu.memory_space<vmem>>)
    %dma_wait3A_341 = arith.constant 2 : i32
    %dma_wait3A_342 = arith.constant 0 : i32
    %dma_wait3A_343 = arith.constant 1024 : i32
    %dma_wait3A_344 = tpu.memref_slice %arg7[%dma_wait3A_343] : memref<3584xi32, #tpu.memory_space<vmem>> -> memref<512xi32, #tpu.memory_space<vmem>>
    %dma_wait3A_345 = arith.constant 0 : i32
    %dma_wait3A_346 = tpu.memref_slice %arg3[%dma_wait3A_341, %add3A, %dma_wait3A_342, %dma_wait3A_345] : memref<26x32x1x512xi32, #tpu.memory_space<hbm>> -> memref<1x1x1x512xi32, #tpu.memory_space<hbm>>
    %dma_wait3A_347 = tpu.memref_squeeze %dma_wait3A_346 : memref<1x1x1x512xi32, #tpu.memory_space<hbm>> -> memref<512xi32, #tpu.memory_space<hbm>>
    %dma_wait3A_348 = arith.constant 1024 : i32
    %dma_wait3A_349 = tpu.memref_slice %arg7[%dma_wait3A_348] : memref<3584xi32, #tpu.memory_space<vmem>> -> memref<512xi32, #tpu.memory_space<vmem>>
    %dma_wait3A_350 = arith.constant 0 : i32
    %dma_wait3A_351 = tpu.memref_slice %arg3[%dma_wait3A_341, %add3A, %dma_wait3A_342, %dma_wait3A_350] : memref<26x32x1x512xi32, #tpu.memory_space<hbm>> -> memref<1x1x1x512xi32, #tpu.memory_space<hbm>>
    %dma_wait3A_352 = tpu.memref_squeeze %dma_wait3A_351 : memref<1x1x1x512xi32, #tpu.memory_space<hbm>> -> memref<512xi32, #tpu.memory_space<hbm>>
    tpu.wait_dma2 semaphore(%arg18 : memref<!tpu.dma_semaphore, #tpu.memory_space<semaphore_mem>>) src(%dma_wait3A_352 : memref<512xi32, #tpu.memory_space<hbm>>) dst(%dma_wait3A_349 : memref<512xi32, #tpu.memory_space<vmem>>)
    %dma_wait3A_353 = arith.constant 3 : i32
    %dma_wait3A_354 = arith.constant 0 : i32
    %dma_wait3A_355 = arith.constant 1536 : i32
    %dma_wait3A_356 = tpu.memref_slice %arg7[%dma_wait3A_355] : memref<3584xi32, #tpu.memory_space<vmem>> -> memref<512xi32, #tpu.memory_space<vmem>>
    %dma_wait3A_357 = arith.constant 0 : i32
    %dma_wait3A_358 = tpu.memref_slice %arg3[%dma_wait3A_353, %add3A, %dma_wait3A_354, %dma_wait3A_357] : memref<26x32x1x512xi32, #tpu.memory_space<hbm>> -> memref<1x1x1x512xi32, #tpu.memory_space<hbm>>
    %dma_wait3A_359 = tpu.memref_squeeze %dma_wait3A_358 : memref<1x1x1x512xi32, #tpu.memory_space<hbm>> -> memref<512xi32, #tpu.memory_space<hbm>>
    %dma_wait3A_360 = arith.constant 1536 : i32
    %dma_wait3A_361 = tpu.memref_slice %arg7[%dma_wait3A_360] : memref<3584xi32, #tpu.memory_space<vmem>> -> memref<512xi32, #tpu.memory_space<vmem>>
    %dma_wait3A_362 = arith.constant 0 : i32
    %dma_wait3A_363 = tpu.memref_slice %arg3[%dma_wait3A_353, %add3A, %dma_wait3A_354, %dma_wait3A_362] : memref<26x32x1x512xi32, #tpu.memory_space<hbm>> -> memref<1x1x1x512xi32, #tpu.memory_space<hbm>>
    %dma_wait3A_364 = tpu.memref_squeeze %dma_wait3A_363 : memref<1x1x1x512xi32, #tpu.memory_space<hbm>> -> memref<512xi32, #tpu.memory_space<hbm>>
    tpu.wait_dma2 semaphore(%arg18 : memref<!tpu.dma_semaphore, #tpu.memory_space<semaphore_mem>>) src(%dma_wait3A_364 : memref<512xi32, #tpu.memory_space<hbm>>) dst(%dma_wait3A_361 : memref<512xi32, #tpu.memory_space<vmem>>)
    %dma_wait3A_365 = arith.constant 4 : i32
    %dma_wait3A_366 = arith.constant 0 : i32
    %dma_wait3A_367 = arith.constant 2048 : i32
    %dma_wait3A_368 = tpu.memref_slice %arg7[%dma_wait3A_367] : memref<3584xi32, #tpu.memory_space<vmem>> -> memref<512xi32, #tpu.memory_space<vmem>>
    %dma_wait3A_369 = arith.constant 0 : i32
    %dma_wait3A_370 = tpu.memref_slice %arg3[%dma_wait3A_365, %add3A, %dma_wait3A_366, %dma_wait3A_369] : memref<26x32x1x512xi32, #tpu.memory_space<hbm>> -> memref<1x1x1x512xi32, #tpu.memory_space<hbm>>
    %dma_wait3A_371 = tpu.memref_squeeze %dma_wait3A_370 : memref<1x1x1x512xi32, #tpu.memory_space<hbm>> -> memref<512xi32, #tpu.memory_space<hbm>>
    %dma_wait3A_372 = arith.constant 2048 : i32
    %dma_wait3A_373 = tpu.memref_slice %arg7[%dma_wait3A_372] : memref<3584xi32, #tpu.memory_space<vmem>> -> memref<512xi32, #tpu.memory_space<vmem>>
    %dma_wait3A_374 = arith.constant 0 : i32
    %dma_wait3A_375 = tpu.memref_slice %arg3[%dma_wait3A_365, %add3A, %dma_wait3A_366, %dma_wait3A_374] : memref<26x32x1x512xi32, #tpu.memory_space<hbm>> -> memref<1x1x1x512xi32, #tpu.memory_space<hbm>>
    %dma_wait3A_376 = tpu.memref_squeeze %dma_wait3A_375 : memref<1x1x1x512xi32, #tpu.memory_space<hbm>> -> memref<512xi32, #tpu.memory_space<hbm>>
    tpu.wait_dma2 semaphore(%arg18 : memref<!tpu.dma_semaphore, #tpu.memory_space<semaphore_mem>>) src(%dma_wait3A_376 : memref<512xi32, #tpu.memory_space<hbm>>) dst(%dma_wait3A_373 : memref<512xi32, #tpu.memory_space<vmem>>)
    %dma_wait3A_377 = arith.constant 5 : i32
    %dma_wait3A_378 = arith.constant 0 : i32
    %dma_wait3A_379 = arith.constant 2560 : i32
    %dma_wait3A_380 = tpu.memref_slice %arg7[%dma_wait3A_379] : memref<3584xi32, #tpu.memory_space<vmem>> -> memref<512xi32, #tpu.memory_space<vmem>>
    %dma_wait3A_381 = arith.constant 0 : i32
    %dma_wait3A_382 = tpu.memref_slice %arg3[%dma_wait3A_377, %add3A, %dma_wait3A_378, %dma_wait3A_381] : memref<26x32x1x512xi32, #tpu.memory_space<hbm>> -> memref<1x1x1x512xi32, #tpu.memory_space<hbm>>
    %dma_wait3A_383 = tpu.memref_squeeze %dma_wait3A_382 : memref<1x1x1x512xi32, #tpu.memory_space<hbm>> -> memref<512xi32, #tpu.memory_space<hbm>>
    %dma_wait3A_384 = arith.constant 2560 : i32
    %dma_wait3A_385 = tpu.memref_slice %arg7[%dma_wait3A_384] : memref<3584xi32, #tpu.memory_space<vmem>> -> memref<512xi32, #tpu.memory_space<vmem>>
    %dma_wait3A_386 = arith.constant 0 : i32
    %dma_wait3A_387 = tpu.memref_slice %arg3[%dma_wait3A_377, %add3A, %dma_wait3A_378, %dma_wait3A_386] : memref<26x32x1x512xi32, #tpu.memory_space<hbm>> -> memref<1x1x1x512xi32, #tpu.memory_space<hbm>>
    %dma_wait3A_388 = tpu.memref_squeeze %dma_wait3A_387 : memref<1x1x1x512xi32, #tpu.memory_space<hbm>> -> memref<512xi32, #tpu.memory_space<hbm>>
    tpu.wait_dma2 semaphore(%arg18 : memref<!tpu.dma_semaphore, #tpu.memory_space<semaphore_mem>>) src(%dma_wait3A_388 : memref<512xi32, #tpu.memory_space<hbm>>) dst(%dma_wait3A_385 : memref<512xi32, #tpu.memory_space<vmem>>)
    %dma_wait3A_389 = arith.constant 6 : i32
    %dma_wait3A_390 = arith.constant 0 : i32
    %dma_wait3A_391 = arith.constant 3072 : i32
    %dma_wait3A_392 = tpu.memref_slice %arg7[%dma_wait3A_391] : memref<3584xi32, #tpu.memory_space<vmem>> -> memref<512xi32, #tpu.memory_space<vmem>>
    %dma_wait3A_393 = arith.constant 0 : i32
    %dma_wait3A_394 = tpu.memref_slice %arg3[%dma_wait3A_389, %add3A, %dma_wait3A_390, %dma_wait3A_393] : memref<26x32x1x512xi32, #tpu.memory_space<hbm>> -> memref<1x1x1x512xi32, #tpu.memory_space<hbm>>
    %dma_wait3A_395 = tpu.memref_squeeze %dma_wait3A_394 : memref<1x1x1x512xi32, #tpu.memory_space<hbm>> -> memref<512xi32, #tpu.memory_space<hbm>>
    %dma_wait3A_396 = arith.constant 3072 : i32
    %dma_wait3A_397 = tpu.memref_slice %arg7[%dma_wait3A_396] : memref<3584xi32, #tpu.memory_space<vmem>> -> memref<512xi32, #tpu.memory_space<vmem>>
    %dma_wait3A_398 = arith.constant 0 : i32
    %dma_wait3A_399 = tpu.memref_slice %arg3[%dma_wait3A_389, %add3A, %dma_wait3A_390, %dma_wait3A_398] : memref<26x32x1x512xi32, #tpu.memory_space<hbm>> -> memref<1x1x1x512xi32, #tpu.memory_space<hbm>>
    %dma_wait3A_400 = tpu.memref_squeeze %dma_wait3A_399 : memref<1x1x1x512xi32, #tpu.memory_space<hbm>> -> memref<512xi32, #tpu.memory_space<hbm>>
    tpu.wait_dma2 semaphore(%arg18 : memref<!tpu.dma_semaphore, #tpu.memory_space<semaphore_mem>>) src(%dma_wait3A_400 : memref<512xi32, #tpu.memory_space<hbm>>) dst(%dma_wait3A_397 : memref<512xi32, #tpu.memory_space<vmem>>)
    %dma_start3A_401 = arith.constant 0 : i32
    %dma_start3A_402 = tpu.memref_slice %arg2[%dma_start3A_401] : memref<2600000xf32, #tpu.memory_space<hbm>> -> memref<2600000xf32, #tpu.memory_space<hbm>>
    tpu.enqueue_indirect_dma source(%dma_start3A_402 : memref<2600000xf32, #tpu.memory_space<hbm>>) target(%arg11 : memref<3584xf32, #tpu.memory_space<vmem>>) offsets(%arg7 : memref<3584xi32, #tpu.memory_space<vmem>>) semaphore(%arg19 : memref<!tpu.dma_semaphore, #tpu.memory_space<semaphore_mem>>)
    %dma_wait3A_403 = arith.constant 7 : i32
    %dma_wait3A_404 = arith.constant 0 : i32
    %dma_wait3A_405 = arith.constant 0 : i32
    %dma_wait3A_406 = tpu.memref_slice %arg8[%dma_wait3A_405] : memref<3584xi32, #tpu.memory_space<vmem>> -> memref<512xi32, #tpu.memory_space<vmem>>
    %dma_wait3A_407 = arith.constant 0 : i32
    %dma_wait3A_408 = tpu.memref_slice %arg3[%dma_wait3A_403, %add3A, %dma_wait3A_404, %dma_wait3A_407] : memref<26x32x1x512xi32, #tpu.memory_space<hbm>> -> memref<1x1x1x512xi32, #tpu.memory_space<hbm>>
    %dma_wait3A_409 = tpu.memref_squeeze %dma_wait3A_408 : memref<1x1x1x512xi32, #tpu.memory_space<hbm>> -> memref<512xi32, #tpu.memory_space<hbm>>
    %dma_wait3A_410 = arith.constant 0 : i32
    %dma_wait3A_411 = tpu.memref_slice %arg8[%dma_wait3A_410] : memref<3584xi32, #tpu.memory_space<vmem>> -> memref<512xi32, #tpu.memory_space<vmem>>
    %dma_wait3A_412 = arith.constant 0 : i32
    %dma_wait3A_413 = tpu.memref_slice %arg3[%dma_wait3A_403, %add3A, %dma_wait3A_404, %dma_wait3A_412] : memref<26x32x1x512xi32, #tpu.memory_space<hbm>> -> memref<1x1x1x512xi32, #tpu.memory_space<hbm>>
    %dma_wait3A_414 = tpu.memref_squeeze %dma_wait3A_413 : memref<1x1x1x512xi32, #tpu.memory_space<hbm>> -> memref<512xi32, #tpu.memory_space<hbm>>
    tpu.wait_dma2 semaphore(%arg18 : memref<!tpu.dma_semaphore, #tpu.memory_space<semaphore_mem>>) src(%dma_wait3A_414 : memref<512xi32, #tpu.memory_space<hbm>>) dst(%dma_wait3A_411 : memref<512xi32, #tpu.memory_space<vmem>>)
    %dma_wait3A_415 = arith.constant 8 : i32
    %dma_wait3A_416 = arith.constant 0 : i32
    %dma_wait3A_417 = arith.constant 512 : i32
    %dma_wait3A_418 = tpu.memref_slice %arg8[%dma_wait3A_417] : memref<3584xi32, #tpu.memory_space<vmem>> -> memref<512xi32, #tpu.memory_space<vmem>>
    %dma_wait3A_419 = arith.constant 0 : i32
    %dma_wait3A_420 = tpu.memref_slice %arg3[%dma_wait3A_415, %add3A, %dma_wait3A_416, %dma_wait3A_419] : memref<26x32x1x512xi32, #tpu.memory_space<hbm>> -> memref<1x1x1x512xi32, #tpu.memory_space<hbm>>
    %dma_wait3A_421 = tpu.memref_squeeze %dma_wait3A_420 : memref<1x1x1x512xi32, #tpu.memory_space<hbm>> -> memref<512xi32, #tpu.memory_space<hbm>>
    %dma_wait3A_422 = arith.constant 512 : i32
    %dma_wait3A_423 = tpu.memref_slice %arg8[%dma_wait3A_422] : memref<3584xi32, #tpu.memory_space<vmem>> -> memref<512xi32, #tpu.memory_space<vmem>>
    %dma_wait3A_424 = arith.constant 0 : i32
    %dma_wait3A_425 = tpu.memref_slice %arg3[%dma_wait3A_415, %add3A, %dma_wait3A_416, %dma_wait3A_424] : memref<26x32x1x512xi32, #tpu.memory_space<hbm>> -> memref<1x1x1x512xi32, #tpu.memory_space<hbm>>
    %dma_wait3A_426 = tpu.memref_squeeze %dma_wait3A_425 : memref<1x1x1x512xi32, #tpu.memory_space<hbm>> -> memref<512xi32, #tpu.memory_space<hbm>>
    tpu.wait_dma2 semaphore(%arg18 : memref<!tpu.dma_semaphore, #tpu.memory_space<semaphore_mem>>) src(%dma_wait3A_426 : memref<512xi32, #tpu.memory_space<hbm>>) dst(%dma_wait3A_423 : memref<512xi32, #tpu.memory_space<vmem>>)
    %dma_wait3A_427 = arith.constant 9 : i32
    %dma_wait3A_428 = arith.constant 0 : i32
    %dma_wait3A_429 = arith.constant 1024 : i32
    %dma_wait3A_430 = tpu.memref_slice %arg8[%dma_wait3A_429] : memref<3584xi32, #tpu.memory_space<vmem>> -> memref<512xi32, #tpu.memory_space<vmem>>
    %dma_wait3A_431 = arith.constant 0 : i32
    %dma_wait3A_432 = tpu.memref_slice %arg3[%dma_wait3A_427, %add3A, %dma_wait3A_428, %dma_wait3A_431] : memref<26x32x1x512xi32, #tpu.memory_space<hbm>> -> memref<1x1x1x512xi32, #tpu.memory_space<hbm>>
    %dma_wait3A_433 = tpu.memref_squeeze %dma_wait3A_432 : memref<1x1x1x512xi32, #tpu.memory_space<hbm>> -> memref<512xi32, #tpu.memory_space<hbm>>
    %dma_wait3A_434 = arith.constant 1024 : i32
    %dma_wait3A_435 = tpu.memref_slice %arg8[%dma_wait3A_434] : memref<3584xi32, #tpu.memory_space<vmem>> -> memref<512xi32, #tpu.memory_space<vmem>>
    %dma_wait3A_436 = arith.constant 0 : i32
    %dma_wait3A_437 = tpu.memref_slice %arg3[%dma_wait3A_427, %add3A, %dma_wait3A_428, %dma_wait3A_436] : memref<26x32x1x512xi32, #tpu.memory_space<hbm>> -> memref<1x1x1x512xi32, #tpu.memory_space<hbm>>
    %dma_wait3A_438 = tpu.memref_squeeze %dma_wait3A_437 : memref<1x1x1x512xi32, #tpu.memory_space<hbm>> -> memref<512xi32, #tpu.memory_space<hbm>>
    tpu.wait_dma2 semaphore(%arg18 : memref<!tpu.dma_semaphore, #tpu.memory_space<semaphore_mem>>) src(%dma_wait3A_438 : memref<512xi32, #tpu.memory_space<hbm>>) dst(%dma_wait3A_435 : memref<512xi32, #tpu.memory_space<vmem>>)
    %dma_wait3A_439 = arith.constant 10 : i32
    %dma_wait3A_440 = arith.constant 0 : i32
    %dma_wait3A_441 = arith.constant 1536 : i32
    %dma_wait3A_442 = tpu.memref_slice %arg8[%dma_wait3A_441] : memref<3584xi32, #tpu.memory_space<vmem>> -> memref<512xi32, #tpu.memory_space<vmem>>
    %dma_wait3A_443 = arith.constant 0 : i32
    %dma_wait3A_444 = tpu.memref_slice %arg3[%dma_wait3A_439, %add3A, %dma_wait3A_440, %dma_wait3A_443] : memref<26x32x1x512xi32, #tpu.memory_space<hbm>> -> memref<1x1x1x512xi32, #tpu.memory_space<hbm>>
    %dma_wait3A_445 = tpu.memref_squeeze %dma_wait3A_444 : memref<1x1x1x512xi32, #tpu.memory_space<hbm>> -> memref<512xi32, #tpu.memory_space<hbm>>
    %dma_wait3A_446 = arith.constant 1536 : i32
    %dma_wait3A_447 = tpu.memref_slice %arg8[%dma_wait3A_446] : memref<3584xi32, #tpu.memory_space<vmem>> -> memref<512xi32, #tpu.memory_space<vmem>>
    %dma_wait3A_448 = arith.constant 0 : i32
    %dma_wait3A_449 = tpu.memref_slice %arg3[%dma_wait3A_439, %add3A, %dma_wait3A_440, %dma_wait3A_448] : memref<26x32x1x512xi32, #tpu.memory_space<hbm>> -> memref<1x1x1x512xi32, #tpu.memory_space<hbm>>
    %dma_wait3A_450 = tpu.memref_squeeze %dma_wait3A_449 : memref<1x1x1x512xi32, #tpu.memory_space<hbm>> -> memref<512xi32, #tpu.memory_space<hbm>>
    tpu.wait_dma2 semaphore(%arg18 : memref<!tpu.dma_semaphore, #tpu.memory_space<semaphore_mem>>) src(%dma_wait3A_450 : memref<512xi32, #tpu.memory_space<hbm>>) dst(%dma_wait3A_447 : memref<512xi32, #tpu.memory_space<vmem>>)
    %dma_wait3A_451 = arith.constant 11 : i32
    %dma_wait3A_452 = arith.constant 0 : i32
    %dma_wait3A_453 = arith.constant 2048 : i32
    %dma_wait3A_454 = tpu.memref_slice %arg8[%dma_wait3A_453] : memref<3584xi32, #tpu.memory_space<vmem>> -> memref<512xi32, #tpu.memory_space<vmem>>
    %dma_wait3A_455 = arith.constant 0 : i32
    %dma_wait3A_456 = tpu.memref_slice %arg3[%dma_wait3A_451, %add3A, %dma_wait3A_452, %dma_wait3A_455] : memref<26x32x1x512xi32, #tpu.memory_space<hbm>> -> memref<1x1x1x512xi32, #tpu.memory_space<hbm>>
    %dma_wait3A_457 = tpu.memref_squeeze %dma_wait3A_456 : memref<1x1x1x512xi32, #tpu.memory_space<hbm>> -> memref<512xi32, #tpu.memory_space<hbm>>
    %dma_wait3A_458 = arith.constant 2048 : i32
    %dma_wait3A_459 = tpu.memref_slice %arg8[%dma_wait3A_458] : memref<3584xi32, #tpu.memory_space<vmem>> -> memref<512xi32, #tpu.memory_space<vmem>>
    %dma_wait3A_460 = arith.constant 0 : i32
    %dma_wait3A_461 = tpu.memref_slice %arg3[%dma_wait3A_451, %add3A, %dma_wait3A_452, %dma_wait3A_460] : memref<26x32x1x512xi32, #tpu.memory_space<hbm>> -> memref<1x1x1x512xi32, #tpu.memory_space<hbm>>
    %dma_wait3A_462 = tpu.memref_squeeze %dma_wait3A_461 : memref<1x1x1x512xi32, #tpu.memory_space<hbm>> -> memref<512xi32, #tpu.memory_space<hbm>>
    tpu.wait_dma2 semaphore(%arg18 : memref<!tpu.dma_semaphore, #tpu.memory_space<semaphore_mem>>) src(%dma_wait3A_462 : memref<512xi32, #tpu.memory_space<hbm>>) dst(%dma_wait3A_459 : memref<512xi32, #tpu.memory_space<vmem>>)
    %dma_wait3A_463 = arith.constant 12 : i32
    %dma_wait3A_464 = arith.constant 0 : i32
    %dma_wait3A_465 = arith.constant 2560 : i32
    %dma_wait3A_466 = tpu.memref_slice %arg8[%dma_wait3A_465] : memref<3584xi32, #tpu.memory_space<vmem>> -> memref<512xi32, #tpu.memory_space<vmem>>
    %dma_wait3A_467 = arith.constant 0 : i32
    %dma_wait3A_468 = tpu.memref_slice %arg3[%dma_wait3A_463, %add3A, %dma_wait3A_464, %dma_wait3A_467] : memref<26x32x1x512xi32, #tpu.memory_space<hbm>> -> memref<1x1x1x512xi32, #tpu.memory_space<hbm>>
    %dma_wait3A_469 = tpu.memref_squeeze %dma_wait3A_468 : memref<1x1x1x512xi32, #tpu.memory_space<hbm>> -> memref<512xi32, #tpu.memory_space<hbm>>
    %dma_wait3A_470 = arith.constant 2560 : i32
    %dma_wait3A_471 = tpu.memref_slice %arg8[%dma_wait3A_470] : memref<3584xi32, #tpu.memory_space<vmem>> -> memref<512xi32, #tpu.memory_space<vmem>>
    %dma_wait3A_472 = arith.constant 0 : i32
    %dma_wait3A_473 = tpu.memref_slice %arg3[%dma_wait3A_463, %add3A, %dma_wait3A_464, %dma_wait3A_472] : memref<26x32x1x512xi32, #tpu.memory_space<hbm>> -> memref<1x1x1x512xi32, #tpu.memory_space<hbm>>
    %dma_wait3A_474 = tpu.memref_squeeze %dma_wait3A_473 : memref<1x1x1x512xi32, #tpu.memory_space<hbm>> -> memref<512xi32, #tpu.memory_space<hbm>>
    tpu.wait_dma2 semaphore(%arg18 : memref<!tpu.dma_semaphore, #tpu.memory_space<semaphore_mem>>) src(%dma_wait3A_474 : memref<512xi32, #tpu.memory_space<hbm>>) dst(%dma_wait3A_471 : memref<512xi32, #tpu.memory_space<vmem>>)
    %dma_wait3A_475 = arith.constant 13 : i32
    %dma_wait3A_476 = arith.constant 0 : i32
    %dma_wait3A_477 = arith.constant 3072 : i32
    %dma_wait3A_478 = tpu.memref_slice %arg8[%dma_wait3A_477] : memref<3584xi32, #tpu.memory_space<vmem>> -> memref<512xi32, #tpu.memory_space<vmem>>
    %dma_wait3A_479 = arith.constant 0 : i32
    %dma_wait3A_480 = tpu.memref_slice %arg3[%dma_wait3A_475, %add3A, %dma_wait3A_476, %dma_wait3A_479] : memref<26x32x1x512xi32, #tpu.memory_space<hbm>> -> memref<1x1x1x512xi32, #tpu.memory_space<hbm>>
    %dma_wait3A_481 = tpu.memref_squeeze %dma_wait3A_480 : memref<1x1x1x512xi32, #tpu.memory_space<hbm>> -> memref<512xi32, #tpu.memory_space<hbm>>
    %dma_wait3A_482 = arith.constant 3072 : i32
    %dma_wait3A_483 = tpu.memref_slice %arg8[%dma_wait3A_482] : memref<3584xi32, #tpu.memory_space<vmem>> -> memref<512xi32, #tpu.memory_space<vmem>>
    %dma_wait3A_484 = arith.constant 0 : i32
    %dma_wait3A_485 = tpu.memref_slice %arg3[%dma_wait3A_475, %add3A, %dma_wait3A_476, %dma_wait3A_484] : memref<26x32x1x512xi32, #tpu.memory_space<hbm>> -> memref<1x1x1x512xi32, #tpu.memory_space<hbm>>
    %dma_wait3A_486 = tpu.memref_squeeze %dma_wait3A_485 : memref<1x1x1x512xi32, #tpu.memory_space<hbm>> -> memref<512xi32, #tpu.memory_space<hbm>>
    tpu.wait_dma2 semaphore(%arg18 : memref<!tpu.dma_semaphore, #tpu.memory_space<semaphore_mem>>) src(%dma_wait3A_486 : memref<512xi32, #tpu.memory_space<hbm>>) dst(%dma_wait3A_483 : memref<512xi32, #tpu.memory_space<vmem>>)
    %dma_start3A_487 = arith.constant 0 : i32
    %dma_start3A_488 = tpu.memref_slice %arg2[%dma_start3A_487] : memref<2600000xf32, #tpu.memory_space<hbm>> -> memref<2600000xf32, #tpu.memory_space<hbm>>
    tpu.enqueue_indirect_dma source(%dma_start3A_488 : memref<2600000xf32, #tpu.memory_space<hbm>>) target(%arg12 : memref<3584xf32, #tpu.memory_space<vmem>>) offsets(%arg8 : memref<3584xi32, #tpu.memory_space<vmem>>) semaphore(%arg20 : memref<!tpu.dma_semaphore, #tpu.memory_space<semaphore_mem>>)
    %dma_wait3A_489 = arith.constant 14 : i32
    %dma_wait3A_490 = arith.constant 0 : i32
    %dma_wait3A_491 = arith.constant 0 : i32
    %dma_wait3A_492 = tpu.memref_slice %arg9[%dma_wait3A_491] : memref<3072xi32, #tpu.memory_space<vmem>> -> memref<512xi32, #tpu.memory_space<vmem>>
    %dma_wait3A_493 = arith.constant 0 : i32
    %dma_wait3A_494 = tpu.memref_slice %arg3[%dma_wait3A_489, %add3A, %dma_wait3A_490, %dma_wait3A_493] : memref<26x32x1x512xi32, #tpu.memory_space<hbm>> -> memref<1x1x1x512xi32, #tpu.memory_space<hbm>>
    %dma_wait3A_495 = tpu.memref_squeeze %dma_wait3A_494 : memref<1x1x1x512xi32, #tpu.memory_space<hbm>> -> memref<512xi32, #tpu.memory_space<hbm>>
    %dma_wait3A_496 = arith.constant 0 : i32
    %dma_wait3A_497 = tpu.memref_slice %arg9[%dma_wait3A_496] : memref<3072xi32, #tpu.memory_space<vmem>> -> memref<512xi32, #tpu.memory_space<vmem>>
    %dma_wait3A_498 = arith.constant 0 : i32
    %dma_wait3A_499 = tpu.memref_slice %arg3[%dma_wait3A_489, %add3A, %dma_wait3A_490, %dma_wait3A_498] : memref<26x32x1x512xi32, #tpu.memory_space<hbm>> -> memref<1x1x1x512xi32, #tpu.memory_space<hbm>>
    %dma_wait3A_500 = tpu.memref_squeeze %dma_wait3A_499 : memref<1x1x1x512xi32, #tpu.memory_space<hbm>> -> memref<512xi32, #tpu.memory_space<hbm>>
    tpu.wait_dma2 semaphore(%arg18 : memref<!tpu.dma_semaphore, #tpu.memory_space<semaphore_mem>>) src(%dma_wait3A_500 : memref<512xi32, #tpu.memory_space<hbm>>) dst(%dma_wait3A_497 : memref<512xi32, #tpu.memory_space<vmem>>)
    %dma_wait3A_501 = arith.constant 15 : i32
    %dma_wait3A_502 = arith.constant 0 : i32
    %dma_wait3A_503 = arith.constant 512 : i32
    %dma_wait3A_504 = tpu.memref_slice %arg9[%dma_wait3A_503] : memref<3072xi32, #tpu.memory_space<vmem>> -> memref<512xi32, #tpu.memory_space<vmem>>
    %dma_wait3A_505 = arith.constant 0 : i32
    %dma_wait3A_506 = tpu.memref_slice %arg3[%dma_wait3A_501, %add3A, %dma_wait3A_502, %dma_wait3A_505] : memref<26x32x1x512xi32, #tpu.memory_space<hbm>> -> memref<1x1x1x512xi32, #tpu.memory_space<hbm>>
    %dma_wait3A_507 = tpu.memref_squeeze %dma_wait3A_506 : memref<1x1x1x512xi32, #tpu.memory_space<hbm>> -> memref<512xi32, #tpu.memory_space<hbm>>
    %dma_wait3A_508 = arith.constant 512 : i32
    %dma_wait3A_509 = tpu.memref_slice %arg9[%dma_wait3A_508] : memref<3072xi32, #tpu.memory_space<vmem>> -> memref<512xi32, #tpu.memory_space<vmem>>
    %dma_wait3A_510 = arith.constant 0 : i32
    %dma_wait3A_511 = tpu.memref_slice %arg3[%dma_wait3A_501, %add3A, %dma_wait3A_502, %dma_wait3A_510] : memref<26x32x1x512xi32, #tpu.memory_space<hbm>> -> memref<1x1x1x512xi32, #tpu.memory_space<hbm>>
    %dma_wait3A_512 = tpu.memref_squeeze %dma_wait3A_511 : memref<1x1x1x512xi32, #tpu.memory_space<hbm>> -> memref<512xi32, #tpu.memory_space<hbm>>
    tpu.wait_dma2 semaphore(%arg18 : memref<!tpu.dma_semaphore, #tpu.memory_space<semaphore_mem>>) src(%dma_wait3A_512 : memref<512xi32, #tpu.memory_space<hbm>>) dst(%dma_wait3A_509 : memref<512xi32, #tpu.memory_space<vmem>>)
    %dma_wait3A_513 = arith.constant 16 : i32
    %dma_wait3A_514 = arith.constant 0 : i32
    %dma_wait3A_515 = arith.constant 1024 : i32
    %dma_wait3A_516 = tpu.memref_slice %arg9[%dma_wait3A_515] : memref<3072xi32, #tpu.memory_space<vmem>> -> memref<512xi32, #tpu.memory_space<vmem>>
    %dma_wait3A_517 = arith.constant 0 : i32
    %dma_wait3A_518 = tpu.memref_slice %arg3[%dma_wait3A_513, %add3A, %dma_wait3A_514, %dma_wait3A_517] : memref<26x32x1x512xi32, #tpu.memory_space<hbm>> -> memref<1x1x1x512xi32, #tpu.memory_space<hbm>>
    %dma_wait3A_519 = tpu.memref_squeeze %dma_wait3A_518 : memref<1x1x1x512xi32, #tpu.memory_space<hbm>> -> memref<512xi32, #tpu.memory_space<hbm>>
    %dma_wait3A_520 = arith.constant 1024 : i32
    %dma_wait3A_521 = tpu.memref_slice %arg9[%dma_wait3A_520] : memref<3072xi32, #tpu.memory_space<vmem>> -> memref<512xi32, #tpu.memory_space<vmem>>
    %dma_wait3A_522 = arith.constant 0 : i32
    %dma_wait3A_523 = tpu.memref_slice %arg3[%dma_wait3A_513, %add3A, %dma_wait3A_514, %dma_wait3A_522] : memref<26x32x1x512xi32, #tpu.memory_space<hbm>> -> memref<1x1x1x512xi32, #tpu.memory_space<hbm>>
    %dma_wait3A_524 = tpu.memref_squeeze %dma_wait3A_523 : memref<1x1x1x512xi32, #tpu.memory_space<hbm>> -> memref<512xi32, #tpu.memory_space<hbm>>
    tpu.wait_dma2 semaphore(%arg18 : memref<!tpu.dma_semaphore, #tpu.memory_space<semaphore_mem>>) src(%dma_wait3A_524 : memref<512xi32, #tpu.memory_space<hbm>>) dst(%dma_wait3A_521 : memref<512xi32, #tpu.memory_space<vmem>>)
    %dma_wait3A_525 = arith.constant 17 : i32
    %dma_wait3A_526 = arith.constant 0 : i32
    %dma_wait3A_527 = arith.constant 1536 : i32
    %dma_wait3A_528 = tpu.memref_slice %arg9[%dma_wait3A_527] : memref<3072xi32, #tpu.memory_space<vmem>> -> memref<512xi32, #tpu.memory_space<vmem>>
    %dma_wait3A_529 = arith.constant 0 : i32
    %dma_wait3A_530 = tpu.memref_slice %arg3[%dma_wait3A_525, %add3A, %dma_wait3A_526, %dma_wait3A_529] : memref<26x32x1x512xi32, #tpu.memory_space<hbm>> -> memref<1x1x1x512xi32, #tpu.memory_space<hbm>>
    %dma_wait3A_531 = tpu.memref_squeeze %dma_wait3A_530 : memref<1x1x1x512xi32, #tpu.memory_space<hbm>> -> memref<512xi32, #tpu.memory_space<hbm>>
    %dma_wait3A_532 = arith.constant 1536 : i32
    %dma_wait3A_533 = tpu.memref_slice %arg9[%dma_wait3A_532] : memref<3072xi32, #tpu.memory_space<vmem>> -> memref<512xi32, #tpu.memory_space<vmem>>
    %dma_wait3A_534 = arith.constant 0 : i32
    %dma_wait3A_535 = tpu.memref_slice %arg3[%dma_wait3A_525, %add3A, %dma_wait3A_526, %dma_wait3A_534] : memref<26x32x1x512xi32, #tpu.memory_space<hbm>> -> memref<1x1x1x512xi32, #tpu.memory_space<hbm>>
    %dma_wait3A_536 = tpu.memref_squeeze %dma_wait3A_535 : memref<1x1x1x512xi32, #tpu.memory_space<hbm>> -> memref<512xi32, #tpu.memory_space<hbm>>
    tpu.wait_dma2 semaphore(%arg18 : memref<!tpu.dma_semaphore, #tpu.memory_space<semaphore_mem>>) src(%dma_wait3A_536 : memref<512xi32, #tpu.memory_space<hbm>>) dst(%dma_wait3A_533 : memref<512xi32, #tpu.memory_space<vmem>>)
    %dma_wait3A_537 = arith.constant 18 : i32
    %dma_wait3A_538 = arith.constant 0 : i32
    %dma_wait3A_539 = arith.constant 2048 : i32
    %dma_wait3A_540 = tpu.memref_slice %arg9[%dma_wait3A_539] : memref<3072xi32, #tpu.memory_space<vmem>> -> memref<512xi32, #tpu.memory_space<vmem>>
    %dma_wait3A_541 = arith.constant 0 : i32
    %dma_wait3A_542 = tpu.memref_slice %arg3[%dma_wait3A_537, %add3A, %dma_wait3A_538, %dma_wait3A_541] : memref<26x32x1x512xi32, #tpu.memory_space<hbm>> -> memref<1x1x1x512xi32, #tpu.memory_space<hbm>>
    %dma_wait3A_543 = tpu.memref_squeeze %dma_wait3A_542 : memref<1x1x1x512xi32, #tpu.memory_space<hbm>> -> memref<512xi32, #tpu.memory_space<hbm>>
    %dma_wait3A_544 = arith.constant 2048 : i32
    %dma_wait3A_545 = tpu.memref_slice %arg9[%dma_wait3A_544] : memref<3072xi32, #tpu.memory_space<vmem>> -> memref<512xi32, #tpu.memory_space<vmem>>
    %dma_wait3A_546 = arith.constant 0 : i32
    %dma_wait3A_547 = tpu.memref_slice %arg3[%dma_wait3A_537, %add3A, %dma_wait3A_538, %dma_wait3A_546] : memref<26x32x1x512xi32, #tpu.memory_space<hbm>> -> memref<1x1x1x512xi32, #tpu.memory_space<hbm>>
    %dma_wait3A_548 = tpu.memref_squeeze %dma_wait3A_547 : memref<1x1x1x512xi32, #tpu.memory_space<hbm>> -> memref<512xi32, #tpu.memory_space<hbm>>
    tpu.wait_dma2 semaphore(%arg18 : memref<!tpu.dma_semaphore, #tpu.memory_space<semaphore_mem>>) src(%dma_wait3A_548 : memref<512xi32, #tpu.memory_space<hbm>>) dst(%dma_wait3A_545 : memref<512xi32, #tpu.memory_space<vmem>>)
    %dma_wait3A_549 = arith.constant 19 : i32
    %dma_wait3A_550 = arith.constant 0 : i32
    %dma_wait3A_551 = arith.constant 2560 : i32
    %dma_wait3A_552 = tpu.memref_slice %arg9[%dma_wait3A_551] : memref<3072xi32, #tpu.memory_space<vmem>> -> memref<512xi32, #tpu.memory_space<vmem>>
    %dma_wait3A_553 = arith.constant 0 : i32
    %dma_wait3A_554 = tpu.memref_slice %arg3[%dma_wait3A_549, %add3A, %dma_wait3A_550, %dma_wait3A_553] : memref<26x32x1x512xi32, #tpu.memory_space<hbm>> -> memref<1x1x1x512xi32, #tpu.memory_space<hbm>>
    %dma_wait3A_555 = tpu.memref_squeeze %dma_wait3A_554 : memref<1x1x1x512xi32, #tpu.memory_space<hbm>> -> memref<512xi32, #tpu.memory_space<hbm>>
    %dma_wait3A_556 = arith.constant 2560 : i32
    %dma_wait3A_557 = tpu.memref_slice %arg9[%dma_wait3A_556] : memref<3072xi32, #tpu.memory_space<vmem>> -> memref<512xi32, #tpu.memory_space<vmem>>
    %dma_wait3A_558 = arith.constant 0 : i32
    %dma_wait3A_559 = tpu.memref_slice %arg3[%dma_wait3A_549, %add3A, %dma_wait3A_550, %dma_wait3A_558] : memref<26x32x1x512xi32, #tpu.memory_space<hbm>> -> memref<1x1x1x512xi32, #tpu.memory_space<hbm>>
    %dma_wait3A_560 = tpu.memref_squeeze %dma_wait3A_559 : memref<1x1x1x512xi32, #tpu.memory_space<hbm>> -> memref<512xi32, #tpu.memory_space<hbm>>
    tpu.wait_dma2 semaphore(%arg18 : memref<!tpu.dma_semaphore, #tpu.memory_space<semaphore_mem>>) src(%dma_wait3A_560 : memref<512xi32, #tpu.memory_space<hbm>>) dst(%dma_wait3A_557 : memref<512xi32, #tpu.memory_space<vmem>>)
    %dma_start3A_561 = arith.constant 0 : i32
    %dma_start3A_562 = tpu.memref_slice %arg2[%dma_start3A_561] : memref<2600000xf32, #tpu.memory_space<hbm>> -> memref<2600000xf32, #tpu.memory_space<hbm>>
    tpu.enqueue_indirect_dma source(%dma_start3A_562 : memref<2600000xf32, #tpu.memory_space<hbm>>) target(%arg13 : memref<3072xf32, #tpu.memory_space<vmem>>) offsets(%arg9 : memref<3072xi32, #tpu.memory_space<vmem>>) semaphore(%arg21 : memref<!tpu.dma_semaphore, #tpu.memory_space<semaphore_mem>>)
    %dma_wait3A_563 = arith.constant 20 : i32
    %dma_wait3A_564 = arith.constant 0 : i32
    %dma_wait3A_565 = arith.constant 0 : i32
    %dma_wait3A_566 = tpu.memref_slice %arg10[%dma_wait3A_565] : memref<3072xi32, #tpu.memory_space<vmem>> -> memref<512xi32, #tpu.memory_space<vmem>>
    %dma_wait3A_567 = arith.constant 0 : i32
    %dma_wait3A_568 = tpu.memref_slice %arg3[%dma_wait3A_563, %add3A, %dma_wait3A_564, %dma_wait3A_567] : memref<26x32x1x512xi32, #tpu.memory_space<hbm>> -> memref<1x1x1x512xi32, #tpu.memory_space<hbm>>
    %dma_wait3A_569 = tpu.memref_squeeze %dma_wait3A_568 : memref<1x1x1x512xi32, #tpu.memory_space<hbm>> -> memref<512xi32, #tpu.memory_space<hbm>>
    %dma_wait3A_570 = arith.constant 0 : i32
    %dma_wait3A_571 = tpu.memref_slice %arg10[%dma_wait3A_570] : memref<3072xi32, #tpu.memory_space<vmem>> -> memref<512xi32, #tpu.memory_space<vmem>>
    %dma_wait3A_572 = arith.constant 0 : i32
    %dma_wait3A_573 = tpu.memref_slice %arg3[%dma_wait3A_563, %add3A, %dma_wait3A_564, %dma_wait3A_572] : memref<26x32x1x512xi32, #tpu.memory_space<hbm>> -> memref<1x1x1x512xi32, #tpu.memory_space<hbm>>
    %dma_wait3A_574 = tpu.memref_squeeze %dma_wait3A_573 : memref<1x1x1x512xi32, #tpu.memory_space<hbm>> -> memref<512xi32, #tpu.memory_space<hbm>>
    tpu.wait_dma2 semaphore(%arg18 : memref<!tpu.dma_semaphore, #tpu.memory_space<semaphore_mem>>) src(%dma_wait3A_574 : memref<512xi32, #tpu.memory_space<hbm>>) dst(%dma_wait3A_571 : memref<512xi32, #tpu.memory_space<vmem>>)
    %dma_wait3A_575 = arith.constant 21 : i32
    %dma_wait3A_576 = arith.constant 0 : i32
    %dma_wait3A_577 = arith.constant 512 : i32
    %dma_wait3A_578 = tpu.memref_slice %arg10[%dma_wait3A_577] : memref<3072xi32, #tpu.memory_space<vmem>> -> memref<512xi32, #tpu.memory_space<vmem>>
    %dma_wait3A_579 = arith.constant 0 : i32
    %dma_wait3A_580 = tpu.memref_slice %arg3[%dma_wait3A_575, %add3A, %dma_wait3A_576, %dma_wait3A_579] : memref<26x32x1x512xi32, #tpu.memory_space<hbm>> -> memref<1x1x1x512xi32, #tpu.memory_space<hbm>>
    %dma_wait3A_581 = tpu.memref_squeeze %dma_wait3A_580 : memref<1x1x1x512xi32, #tpu.memory_space<hbm>> -> memref<512xi32, #tpu.memory_space<hbm>>
    %dma_wait3A_582 = arith.constant 512 : i32
    %dma_wait3A_583 = tpu.memref_slice %arg10[%dma_wait3A_582] : memref<3072xi32, #tpu.memory_space<vmem>> -> memref<512xi32, #tpu.memory_space<vmem>>
    %dma_wait3A_584 = arith.constant 0 : i32
    %dma_wait3A_585 = tpu.memref_slice %arg3[%dma_wait3A_575, %add3A, %dma_wait3A_576, %dma_wait3A_584] : memref<26x32x1x512xi32, #tpu.memory_space<hbm>> -> memref<1x1x1x512xi32, #tpu.memory_space<hbm>>
    %dma_wait3A_586 = tpu.memref_squeeze %dma_wait3A_585 : memref<1x1x1x512xi32, #tpu.memory_space<hbm>> -> memref<512xi32, #tpu.memory_space<hbm>>
    tpu.wait_dma2 semaphore(%arg18 : memref<!tpu.dma_semaphore, #tpu.memory_space<semaphore_mem>>) src(%dma_wait3A_586 : memref<512xi32, #tpu.memory_space<hbm>>) dst(%dma_wait3A_583 : memref<512xi32, #tpu.memory_space<vmem>>)
    %dma_wait3A_587 = arith.constant 22 : i32
    %dma_wait3A_588 = arith.constant 0 : i32
    %dma_wait3A_589 = arith.constant 1024 : i32
    %dma_wait3A_590 = tpu.memref_slice %arg10[%dma_wait3A_589] : memref<3072xi32, #tpu.memory_space<vmem>> -> memref<512xi32, #tpu.memory_space<vmem>>
    %dma_wait3A_591 = arith.constant 0 : i32
    %dma_wait3A_592 = tpu.memref_slice %arg3[%dma_wait3A_587, %add3A, %dma_wait3A_588, %dma_wait3A_591] : memref<26x32x1x512xi32, #tpu.memory_space<hbm>> -> memref<1x1x1x512xi32, #tpu.memory_space<hbm>>
    %dma_wait3A_593 = tpu.memref_squeeze %dma_wait3A_592 : memref<1x1x1x512xi32, #tpu.memory_space<hbm>> -> memref<512xi32, #tpu.memory_space<hbm>>
    %dma_wait3A_594 = arith.constant 1024 : i32
    %dma_wait3A_595 = tpu.memref_slice %arg10[%dma_wait3A_594] : memref<3072xi32, #tpu.memory_space<vmem>> -> memref<512xi32, #tpu.memory_space<vmem>>
    %dma_wait3A_596 = arith.constant 0 : i32
    %dma_wait3A_597 = tpu.memref_slice %arg3[%dma_wait3A_587, %add3A, %dma_wait3A_588, %dma_wait3A_596] : memref<26x32x1x512xi32, #tpu.memory_space<hbm>> -> memref<1x1x1x512xi32, #tpu.memory_space<hbm>>
    %dma_wait3A_598 = tpu.memref_squeeze %dma_wait3A_597 : memref<1x1x1x512xi32, #tpu.memory_space<hbm>> -> memref<512xi32, #tpu.memory_space<hbm>>
    tpu.wait_dma2 semaphore(%arg18 : memref<!tpu.dma_semaphore, #tpu.memory_space<semaphore_mem>>) src(%dma_wait3A_598 : memref<512xi32, #tpu.memory_space<hbm>>) dst(%dma_wait3A_595 : memref<512xi32, #tpu.memory_space<vmem>>)
    %dma_wait3A_599 = arith.constant 23 : i32
    %dma_wait3A_600 = arith.constant 0 : i32
    %dma_wait3A_601 = arith.constant 1536 : i32
    %dma_wait3A_602 = tpu.memref_slice %arg10[%dma_wait3A_601] : memref<3072xi32, #tpu.memory_space<vmem>> -> memref<512xi32, #tpu.memory_space<vmem>>
    %dma_wait3A_603 = arith.constant 0 : i32
    %dma_wait3A_604 = tpu.memref_slice %arg3[%dma_wait3A_599, %add3A, %dma_wait3A_600, %dma_wait3A_603] : memref<26x32x1x512xi32, #tpu.memory_space<hbm>> -> memref<1x1x1x512xi32, #tpu.memory_space<hbm>>
    %dma_wait3A_605 = tpu.memref_squeeze %dma_wait3A_604 : memref<1x1x1x512xi32, #tpu.memory_space<hbm>> -> memref<512xi32, #tpu.memory_space<hbm>>
    %dma_wait3A_606 = arith.constant 1536 : i32
    %dma_wait3A_607 = tpu.memref_slice %arg10[%dma_wait3A_606] : memref<3072xi32, #tpu.memory_space<vmem>> -> memref<512xi32, #tpu.memory_space<vmem>>
    %dma_wait3A_608 = arith.constant 0 : i32
    %dma_wait3A_609 = tpu.memref_slice %arg3[%dma_wait3A_599, %add3A, %dma_wait3A_600, %dma_wait3A_608] : memref<26x32x1x512xi32, #tpu.memory_space<hbm>> -> memref<1x1x1x512xi32, #tpu.memory_space<hbm>>
    %dma_wait3A_610 = tpu.memref_squeeze %dma_wait3A_609 : memref<1x1x1x512xi32, #tpu.memory_space<hbm>> -> memref<512xi32, #tpu.memory_space<hbm>>
    tpu.wait_dma2 semaphore(%arg18 : memref<!tpu.dma_semaphore, #tpu.memory_space<semaphore_mem>>) src(%dma_wait3A_610 : memref<512xi32, #tpu.memory_space<hbm>>) dst(%dma_wait3A_607 : memref<512xi32, #tpu.memory_space<vmem>>)
    %dma_wait3A_611 = arith.constant 24 : i32
    %dma_wait3A_612 = arith.constant 0 : i32
    %dma_wait3A_613 = arith.constant 2048 : i32
    %dma_wait3A_614 = tpu.memref_slice %arg10[%dma_wait3A_613] : memref<3072xi32, #tpu.memory_space<vmem>> -> memref<512xi32, #tpu.memory_space<vmem>>
    %dma_wait3A_615 = arith.constant 0 : i32
    %dma_wait3A_616 = tpu.memref_slice %arg3[%dma_wait3A_611, %add3A, %dma_wait3A_612, %dma_wait3A_615] : memref<26x32x1x512xi32, #tpu.memory_space<hbm>> -> memref<1x1x1x512xi32, #tpu.memory_space<hbm>>
    %dma_wait3A_617 = tpu.memref_squeeze %dma_wait3A_616 : memref<1x1x1x512xi32, #tpu.memory_space<hbm>> -> memref<512xi32, #tpu.memory_space<hbm>>
    %dma_wait3A_618 = arith.constant 2048 : i32
    %dma_wait3A_619 = tpu.memref_slice %arg10[%dma_wait3A_618] : memref<3072xi32, #tpu.memory_space<vmem>> -> memref<512xi32, #tpu.memory_space<vmem>>
    %dma_wait3A_620 = arith.constant 0 : i32
    %dma_wait3A_621 = tpu.memref_slice %arg3[%dma_wait3A_611, %add3A, %dma_wait3A_612, %dma_wait3A_620] : memref<26x32x1x512xi32, #tpu.memory_space<hbm>> -> memref<1x1x1x512xi32, #tpu.memory_space<hbm>>
    %dma_wait3A_622 = tpu.memref_squeeze %dma_wait3A_621 : memref<1x1x1x512xi32, #tpu.memory_space<hbm>> -> memref<512xi32, #tpu.memory_space<hbm>>
    tpu.wait_dma2 semaphore(%arg18 : memref<!tpu.dma_semaphore, #tpu.memory_space<semaphore_mem>>) src(%dma_wait3A_622 : memref<512xi32, #tpu.memory_space<hbm>>) dst(%dma_wait3A_619 : memref<512xi32, #tpu.memory_space<vmem>>)
    %dma_wait3A_623 = arith.constant 25 : i32
    %dma_wait3A_624 = arith.constant 0 : i32
    %dma_wait3A_625 = arith.constant 2560 : i32
    %dma_wait3A_626 = tpu.memref_slice %arg10[%dma_wait3A_625] : memref<3072xi32, #tpu.memory_space<vmem>> -> memref<512xi32, #tpu.memory_space<vmem>>
    %dma_wait3A_627 = arith.constant 0 : i32
    %dma_wait3A_628 = tpu.memref_slice %arg3[%dma_wait3A_623, %add3A, %dma_wait3A_624, %dma_wait3A_627] : memref<26x32x1x512xi32, #tpu.memory_space<hbm>> -> memref<1x1x1x512xi32, #tpu.memory_space<hbm>>
    %dma_wait3A_629 = tpu.memref_squeeze %dma_wait3A_628 : memref<1x1x1x512xi32, #tpu.memory_space<hbm>> -> memref<512xi32, #tpu.memory_space<hbm>>
    %dma_wait3A_630 = arith.constant 2560 : i32
    %dma_wait3A_631 = tpu.memref_slice %arg10[%dma_wait3A_630] : memref<3072xi32, #tpu.memory_space<vmem>> -> memref<512xi32, #tpu.memory_space<vmem>>
    %dma_wait3A_632 = arith.constant 0 : i32
    %dma_wait3A_633 = tpu.memref_slice %arg3[%dma_wait3A_623, %add3A, %dma_wait3A_624, %dma_wait3A_632] : memref<26x32x1x512xi32, #tpu.memory_space<hbm>> -> memref<1x1x1x512xi32, #tpu.memory_space<hbm>>
    %dma_wait3A_634 = tpu.memref_squeeze %dma_wait3A_633 : memref<1x1x1x512xi32, #tpu.memory_space<hbm>> -> memref<512xi32, #tpu.memory_space<hbm>>
    tpu.wait_dma2 semaphore(%arg18 : memref<!tpu.dma_semaphore, #tpu.memory_space<semaphore_mem>>) src(%dma_wait3A_634 : memref<512xi32, #tpu.memory_space<hbm>>) dst(%dma_wait3A_631 : memref<512xi32, #tpu.memory_space<vmem>>)
    %dma_start3A_635 = arith.constant 0 : i32
    %dma_start3A_636 = tpu.memref_slice %arg2[%dma_start3A_635] : memref<2600000xf32, #tpu.memory_space<hbm>> -> memref<2600000xf32, #tpu.memory_space<hbm>>
    tpu.enqueue_indirect_dma source(%dma_start3A_636 : memref<2600000xf32, #tpu.memory_space<hbm>>) target(%arg14 : memref<3072xf32, #tpu.memory_space<vmem>>) offsets(%arg10 : memref<3072xi32, #tpu.memory_space<vmem>>) semaphore(%arg22 : memref<!tpu.dma_semaphore, #tpu.memory_space<semaphore_mem>>)
    %dma_wait3A_637 = arith.constant 0 : i32
    %dma_wait3A_638 = tpu.memref_slice %arg4[%dma_wait3A_637, %mul3A_2] : memref<13x16384xf32, #tpu.memory_space<hbm>> -> memref<13x512xf32, #tpu.memory_space<hbm>>
    %dma_wait3A_639 = arith.constant 0 : i32
    %dma_wait3A_640 = tpu.memref_slice %arg4[%dma_wait3A_639, %mul3A_2] : memref<13x16384xf32, #tpu.memory_space<hbm>> -> memref<13x512xf32, #tpu.memory_space<hbm>>
    tpu.wait_dma2 semaphore(%arg18 : memref<!tpu.dma_semaphore, #tpu.memory_space<semaphore_mem>>) src(%dma_wait3A_640 : memref<13x512xf32, #tpu.memory_space<hbm>>) dst(%arg15 : memref<13x512xf32, #tpu.memory_space<vmem>>)
    tpu.wait_dma2 semaphore(%arg18 : memref<!tpu.dma_semaphore, #tpu.memory_space<semaphore_mem>>) src(%arg5 : memref<16xf32, #tpu.memory_space<hbm>>) dst(%arg16 : memref<16xf32, #tpu.memory_space<vmem>>)
    %get3A = arith.constant 0 : index
    %get3A_641 = tpu.vector_load %arg16[%get3A] {strides = array<i32>} : memref<16xf32, #tpu.memory_space<vmem>>, vector<16xf32>,
    %get3A_642 = vector.shape_cast %get3A_641 : vector<16xf32> to vector<16xf32>
    %dma_wait3A_643 = arith.constant 0 : i32
    %dma_wait3A_644 = tpu.memref_slice %arg2[%dma_wait3A_643] : memref<2600000xf32, #tpu.memory_space<hbm>> -> memref<2600000xf32, #tpu.memory_space<hbm>>
    tpu.wait_indirect_dma semaphore(%arg19 : memref<!tpu.dma_semaphore, #tpu.memory_space<semaphore_mem>>) src(%dma_wait3A_644 : memref<2600000xf32, #tpu.memory_space<hbm>>) dst(%arg11 : memref<3584xf32, #tpu.memory_space<vmem>>)
    %scan3A = arith.constant 0 : i32
    %scan3A_645 = arith.constant 0 : i32
    %scan3A_646 = arith.constant 32 : i32
    %scan3A_647 = arith.addi %scan3A_645, %scan3A_646 : i32
    %scan3A_648 = arith.constant 1 : i32
    %scan3A_649 = scf.for %scan3A_680 = %scan3A_645 to %scan3A_647 step %scan3A_648 iter_args(%scan3A_681 = %scan3A) -> (i32)  : i32 {
      %mul3A_682 = arith.constant 16 : i32
      %mul3A_683 = arith.muli %scan3A_680, %mul3A_682 : i32
      %slice3A = vector.extract_strided_slice %get3A_642 {offsets = [13], sizes = [1], strides = [1]} : vector<16xf32> to vector<1xf32>
      %squeeze3A = vector.extract %slice3A[0] : f32 from vector<1xf32>
      %broadcast_in_dim3A = vector.broadcast %squeeze3A : f32 to vector<16xf32>
      %slice3A_684 = vector.extract_strided_slice %get3A_642 {offsets = [0], sizes = [1], strides = [1]} : vector<16xf32> to vector<1xf32>
      %squeeze3A_685 = vector.extract %slice3A_684[0] : f32 from vector<1xf32>
      %get3A_686 = arith.constant 0 : i32
      %get3A_687 = arith.index_cast %get3A_686 : i32 to index
      %get3A_688 = arith.index_cast %mul3A_683 : i32 to index
      %get3A_689 = tpu.vector_load %arg15[%get3A_687, %get3A_688] {strides = array<i32>} : memref<13x512xf32, #tpu.memory_space<vmem>>, vector<1x16xf32>,
      %get3A_690 = vector.shape_cast %get3A_689 : vector<1x16xf32> to vector<16xf32>
      %mul3A_691 = vector.broadcast %squeeze3A_685 : f32 to vector<16xf32>
      %mul3A_692 = arith.mulf %mul3A_691, %get3A_690 : vector<16xf32>
      %add3A_693 = arith.addf %broadcast_in_dim3A, %mul3A_692 : vector<16xf32>
      %slice3A_694 = vector.extract_strided_slice %get3A_642 {offsets = [1], sizes = [1], strides = [1]} : vector<16xf32> to vector<1xf32>
      %squeeze3A_695 = vector.extract %slice3A_694[0] : f32 from vector<1xf32>
      %get3A_696 = arith.constant 1 : i32
      %get3A_697 = arith.index_cast %get3A_696 : i32 to index
      %get3A_698 = arith.index_cast %mul3A_683 : i32 to index
      %get3A_699 = tpu.vector_load %arg15[%get3A_697, %get3A_698] {strides = array<i32>} : memref<13x512xf32, #tpu.memory_space<vmem>>, vector<1x16xf32>,
      %get3A_700 = vector.shape_cast %get3A_699 : vector<1x16xf32> to vector<16xf32>
      %mul3A_701 = vector.broadcast %squeeze3A_695 : f32 to vector<16xf32>
      %mul3A_702 = arith.mulf %mul3A_701, %get3A_700 : vector<16xf32>
      %add3A_703 = arith.addf %add3A_693, %mul3A_702 : vector<16xf32>
      %slice3A_704 = vector.extract_strided_slice %get3A_642 {offsets = [2], sizes = [1], strides = [1]} : vector<16xf32> to vector<1xf32>
      %squeeze3A_705 = vector.extract %slice3A_704[0] : f32 from vector<1xf32>
      %get3A_706 = arith.constant 2 : i32
      %get3A_707 = arith.index_cast %get3A_706 : i32 to index
      %get3A_708 = arith.index_cast %mul3A_683 : i32 to index
      %get3A_709 = tpu.vector_load %arg15[%get3A_707, %get3A_708] {strides = array<i32>} : memref<13x512xf32, #tpu.memory_space<vmem>>, vector<1x16xf32>,
      %get3A_710 = vector.shape_cast %get3A_709 : vector<1x16xf32> to vector<16xf32>
      %mul3A_711 = vector.broadcast %squeeze3A_705 : f32 to vector<16xf32>
      %mul3A_712 = arith.mulf %mul3A_711, %get3A_710 : vector<16xf32>
      %add3A_713 = arith.addf %add3A_703, %mul3A_712 : vector<16xf32>
      %slice3A_714 = vector.extract_strided_slice %get3A_642 {offsets = [3], sizes = [1], strides = [1]} : vector<16xf32> to vector<1xf32>
      %squeeze3A_715 = vector.extract %slice3A_714[0] : f32 from vector<1xf32>
      %get3A_716 = arith.constant 3 : i32
      %get3A_717 = arith.index_cast %get3A_716 : i32 to index
      %get3A_718 = arith.index_cast %mul3A_683 : i32 to index
      %get3A_719 = tpu.vector_load %arg15[%get3A_717, %get3A_718] {strides = array<i32>} : memref<13x512xf32, #tpu.memory_space<vmem>>, vector<1x16xf32>,
      %get3A_720 = vector.shape_cast %get3A_719 : vector<1x16xf32> to vector<16xf32>
      %mul3A_721 = vector.broadcast %squeeze3A_715 : f32 to vector<16xf32>
      %mul3A_722 = arith.mulf %mul3A_721, %get3A_720 : vector<16xf32>
      %add3A_723 = arith.addf %add3A_713, %mul3A_722 : vector<16xf32>
      %slice3A_724 = vector.extract_strided_slice %get3A_642 {offsets = [4], sizes = [1], strides = [1]} : vector<16xf32> to vector<1xf32>
      %squeeze3A_725 = vector.extract %slice3A_724[0] : f32 from vector<1xf32>
      %get3A_726 = arith.constant 4 : i32
      %get3A_727 = arith.index_cast %get3A_726 : i32 to index
      %get3A_728 = arith.index_cast %mul3A_683 : i32 to index
      %get3A_729 = tpu.vector_load %arg15[%get3A_727, %get3A_728] {strides = array<i32>} : memref<13x512xf32, #tpu.memory_space<vmem>>, vector<1x16xf32>,
      %get3A_730 = vector.shape_cast %get3A_729 : vector<1x16xf32> to vector<16xf32>
      %mul3A_731 = vector.broadcast %squeeze3A_725 : f32 to vector<16xf32>
      %mul3A_732 = arith.mulf %mul3A_731, %get3A_730 : vector<16xf32>
      %add3A_733 = arith.addf %add3A_723, %mul3A_732 : vector<16xf32>
      %slice3A_734 = vector.extract_strided_slice %get3A_642 {offsets = [5], sizes = [1], strides = [1]} : vector<16xf32> to vector<1xf32>
      %squeeze3A_735 = vector.extract %slice3A_734[0] : f32 from vector<1xf32>
      %get3A_736 = arith.constant 5 : i32
      %get3A_737 = arith.index_cast %get3A_736 : i32 to index
      %get3A_738 = arith.index_cast %mul3A_683 : i32 to index
      %get3A_739 = tpu.vector_load %arg15[%get3A_737, %get3A_738] {strides = array<i32>} : memref<13x512xf32, #tpu.memory_space<vmem>>, vector<1x16xf32>,
      %get3A_740 = vector.shape_cast %get3A_739 : vector<1x16xf32> to vector<16xf32>
      %mul3A_741 = vector.broadcast %squeeze3A_735 : f32 to vector<16xf32>
      %mul3A_742 = arith.mulf %mul3A_741, %get3A_740 : vector<16xf32>
      %add3A_743 = arith.addf %add3A_733, %mul3A_742 : vector<16xf32>
      %slice3A_744 = vector.extract_strided_slice %get3A_642 {offsets = [6], sizes = [1], strides = [1]} : vector<16xf32> to vector<1xf32>
      %squeeze3A_745 = vector.extract %slice3A_744[0] : f32 from vector<1xf32>
      %get3A_746 = arith.constant 6 : i32
      %get3A_747 = arith.index_cast %get3A_746 : i32 to index
      %get3A_748 = arith.index_cast %mul3A_683 : i32 to index
      %get3A_749 = tpu.vector_load %arg15[%get3A_747, %get3A_748] {strides = array<i32>} : memref<13x512xf32, #tpu.memory_space<vmem>>, vector<1x16xf32>,
      %get3A_750 = vector.shape_cast %get3A_749 : vector<1x16xf32> to vector<16xf32>
      %mul3A_751 = vector.broadcast %squeeze3A_745 : f32 to vector<16xf32>
      %mul3A_752 = arith.mulf %mul3A_751, %get3A_750 : vector<16xf32>
      %add3A_753 = arith.addf %add3A_743, %mul3A_752 : vector<16xf32>
      %slice3A_754 = vector.extract_strided_slice %get3A_642 {offsets = [7], sizes = [1], strides = [1]} : vector<16xf32> to vector<1xf32>
      %squeeze3A_755 = vector.extract %slice3A_754[0] : f32 from vector<1xf32>
      %get3A_756 = arith.constant 7 : i32
      %get3A_757 = arith.index_cast %get3A_756 : i32 to index
      %get3A_758 = arith.index_cast %mul3A_683 : i32 to index
      %get3A_759 = tpu.vector_load %arg15[%get3A_757, %get3A_758] {strides = array<i32>} : memref<13x512xf32, #tpu.memory_space<vmem>>, vector<1x16xf32>,
      %get3A_760 = vector.shape_cast %get3A_759 : vector<1x16xf32> to vector<16xf32>
      %mul3A_761 = vector.broadcast %squeeze3A_755 : f32 to vector<16xf32>
      %mul3A_762 = arith.mulf %mul3A_761, %get3A_760 : vector<16xf32>
      %add3A_763 = arith.addf %add3A_753, %mul3A_762 : vector<16xf32>
      %slice3A_764 = vector.extract_strided_slice %get3A_642 {offsets = [8], sizes = [1], strides = [1]} : vector<16xf32> to vector<1xf32>
      %squeeze3A_765 = vector.extract %slice3A_764[0] : f32 from vector<1xf32>
      %get3A_766 = arith.constant 8 : i32
      %get3A_767 = arith.index_cast %get3A_766 : i32 to index
      %get3A_768 = arith.index_cast %mul3A_683 : i32 to index
      %get3A_769 = tpu.vector_load %arg15[%get3A_767, %get3A_768] {strides = array<i32>} : memref<13x512xf32, #tpu.memory_space<vmem>>, vector<1x16xf32>,
      %get3A_770 = vector.shape_cast %get3A_769 : vector<1x16xf32> to vector<16xf32>
      %mul3A_771 = vector.broadcast %squeeze3A_765 : f32 to vector<16xf32>
      %mul3A_772 = arith.mulf %mul3A_771, %get3A_770 : vector<16xf32>
      %add3A_773 = arith.addf %add3A_763, %mul3A_772 : vector<16xf32>
      %slice3A_774 = vector.extract_strided_slice %get3A_642 {offsets = [9], sizes = [1], strides = [1]} : vector<16xf32> to vector<1xf32>
      %squeeze3A_775 = vector.extract %slice3A_774[0] : f32 from vector<1xf32>
      %get3A_776 = arith.constant 9 : i32
      %get3A_777 = arith.index_cast %get3A_776 : i32 to index
      %get3A_778 = arith.index_cast %mul3A_683 : i32 to index
      %get3A_779 = tpu.vector_load %arg15[%get3A_777, %get3A_778] {strides = array<i32>} : memref<13x512xf32, #tpu.memory_space<vmem>>, vector<1x16xf32>,
      %get3A_780 = vector.shape_cast %get3A_779 : vector<1x16xf32> to vector<16xf32>
      %mul3A_781 = vector.broadcast %squeeze3A_775 : f32 to vector<16xf32>
      %mul3A_782 = arith.mulf %mul3A_781, %get3A_780 : vector<16xf32>
      %add3A_783 = arith.addf %add3A_773, %mul3A_782 : vector<16xf32>
      %slice3A_784 = vector.extract_strided_slice %get3A_642 {offsets = [10], sizes = [1], strides = [1]} : vector<16xf32> to vector<1xf32>
      %squeeze3A_785 = vector.extract %slice3A_784[0] : f32 from vector<1xf32>
      %get3A_786 = arith.constant 10 : i32
      %get3A_787 = arith.index_cast %get3A_786 : i32 to index
      %get3A_788 = arith.index_cast %mul3A_683 : i32 to index
      %get3A_789 = tpu.vector_load %arg15[%get3A_787, %get3A_788] {strides = array<i32>} : memref<13x512xf32, #tpu.memory_space<vmem>>, vector<1x16xf32>,
      %get3A_790 = vector.shape_cast %get3A_789 : vector<1x16xf32> to vector<16xf32>
      %mul3A_791 = vector.broadcast %squeeze3A_785 : f32 to vector<16xf32>
      %mul3A_792 = arith.mulf %mul3A_791, %get3A_790 : vector<16xf32>
      %add3A_793 = arith.addf %add3A_783, %mul3A_792 : vector<16xf32>
      %slice3A_794 = vector.extract_strided_slice %get3A_642 {offsets = [11], sizes = [1], strides = [1]} : vector<16xf32> to vector<1xf32>
      %squeeze3A_795 = vector.extract %slice3A_794[0] : f32 from vector<1xf32>
      %get3A_796 = arith.constant 11 : i32
      %get3A_797 = arith.index_cast %get3A_796 : i32 to index
      %get3A_798 = arith.index_cast %mul3A_683 : i32 to index
      %get3A_799 = tpu.vector_load %arg15[%get3A_797, %get3A_798] {strides = array<i32>} : memref<13x512xf32, #tpu.memory_space<vmem>>, vector<1x16xf32>,
      %get3A_800 = vector.shape_cast %get3A_799 : vector<1x16xf32> to vector<16xf32>
      %mul3A_801 = vector.broadcast %squeeze3A_795 : f32 to vector<16xf32>
      %mul3A_802 = arith.mulf %mul3A_801, %get3A_800 : vector<16xf32>
      %add3A_803 = arith.addf %add3A_793, %mul3A_802 : vector<16xf32>
      %slice3A_804 = vector.extract_strided_slice %get3A_642 {offsets = [12], sizes = [1], strides = [1]} : vector<16xf32> to vector<1xf32>
      %squeeze3A_805 = vector.extract %slice3A_804[0] : f32 from vector<1xf32>
      %get3A_806 = arith.constant 12 : i32
      %get3A_807 = arith.index_cast %get3A_806 : i32 to index
      %get3A_808 = arith.index_cast %mul3A_683 : i32 to index
      %get3A_809 = tpu.vector_load %arg15[%get3A_807, %get3A_808] {strides = array<i32>} : memref<13x512xf32, #tpu.memory_space<vmem>>, vector<1x16xf32>,
      %get3A_810 = vector.shape_cast %get3A_809 : vector<1x16xf32> to vector<16xf32>
      %mul3A_811 = vector.broadcast %squeeze3A_805 : f32 to vector<16xf32>
      %mul3A_812 = arith.mulf %mul3A_811, %get3A_810 : vector<16xf32>
      %add3A_813 = arith.addf %add3A_803, %mul3A_812 : vector<16xf32>
      %mul3A_814 = arith.constant 16 : i32
      %mul3A_815 = arith.muli %scan3A_680, %mul3A_814 : i32
      %add3A_816 = arith.constant 0 : i32
      %add3A_817 = arith.addi %add3A_816, %mul3A_815 : i32
      %get3A_818 = arith.index_cast %add3A_817 : i32 to index
      %get3A_819 = tpu.vector_load %arg11[%get3A_818] {strides = array<i32>} : memref<3584xf32, #tpu.memory_space<vmem>>, vector<16xf32>,
      %get3A_820 = vector.shape_cast %get3A_819 : vector<16xf32> to vector<16xf32>
      %add3A_821 = arith.addf %add3A_813, %get3A_820 : vector<16xf32>
      %mul3A_822 = arith.constant 16 : i32
      %mul3A_823 = arith.muli %scan3A_680, %mul3A_822 : i32
      %add3A_824 = arith.constant 512 : i32
      %add3A_825 = arith.addi %add3A_824, %mul3A_823 : i32
      %get3A_826 = arith.index_cast %add3A_825 : i32 to index
      %get3A_827 = tpu.vector_load %arg11[%get3A_826] {strides = array<i32>} : memref<3584xf32, #tpu.memory_space<vmem>>, vector<16xf32>,
      %get3A_828 = vector.shape_cast %get3A_827 : vector<16xf32> to vector<16xf32>
      %add3A_829 = arith.addf %add3A_821, %get3A_828 : vector<16xf32>
      %mul3A_830 = arith.constant 16 : i32
      %mul3A_831 = arith.muli %scan3A_680, %mul3A_830 : i32
      %add3A_832 = arith.constant 1024 : i32
      %add3A_833 = arith.addi %add3A_832, %mul3A_831 : i32
      %get3A_834 = arith.index_cast %add3A_833 : i32 to index
      %get3A_835 = tpu.vector_load %arg11[%get3A_834] {strides = array<i32>} : memref<3584xf32, #tpu.memory_space<vmem>>, vector<16xf32>,
      %get3A_836 = vector.shape_cast %get3A_835 : vector<16xf32> to vector<16xf32>
      %add3A_837 = arith.addf %add3A_829, %get3A_836 : vector<16xf32>
      %mul3A_838 = arith.constant 16 : i32
      %mul3A_839 = arith.muli %scan3A_680, %mul3A_838 : i32
      %add3A_840 = arith.constant 1536 : i32
      %add3A_841 = arith.addi %add3A_840, %mul3A_839 : i32
      %get3A_842 = arith.index_cast %add3A_841 : i32 to index
      %get3A_843 = tpu.vector_load %arg11[%get3A_842] {strides = array<i32>} : memref<3584xf32, #tpu.memory_space<vmem>>, vector<16xf32>,
      %get3A_844 = vector.shape_cast %get3A_843 : vector<16xf32> to vector<16xf32>
      %add3A_845 = arith.addf %add3A_837, %get3A_844 : vector<16xf32>
      %mul3A_846 = arith.constant 16 : i32
      %mul3A_847 = arith.muli %scan3A_680, %mul3A_846 : i32
      %add3A_848 = arith.constant 2048 : i32
      %add3A_849 = arith.addi %add3A_848, %mul3A_847 : i32
      %get3A_850 = arith.index_cast %add3A_849 : i32 to index
      %get3A_851 = tpu.vector_load %arg11[%get3A_850] {strides = array<i32>} : memref<3584xf32, #tpu.memory_space<vmem>>, vector<16xf32>,
      %get3A_852 = vector.shape_cast %get3A_851 : vector<16xf32> to vector<16xf32>
      %add3A_853 = arith.addf %add3A_845, %get3A_852 : vector<16xf32>
      %mul3A_854 = arith.constant 16 : i32
      %mul3A_855 = arith.muli %scan3A_680, %mul3A_854 : i32
      %add3A_856 = arith.constant 2560 : i32
      %add3A_857 = arith.addi %add3A_856, %mul3A_855 : i32
      %get3A_858 = arith.index_cast %add3A_857 : i32 to index
      %get3A_859 = tpu.vector_load %arg11[%get3A_858] {strides = array<i32>} : memref<3584xf32, #tpu.memory_space<vmem>>, vector<16xf32>,
      %get3A_860 = vector.shape_cast %get3A_859 : vector<16xf32> to vector<16xf32>
      %add3A_861 = arith.addf %add3A_853, %get3A_860 : vector<16xf32>
      %mul3A_862 = arith.constant 16 : i32
      %mul3A_863 = arith.muli %scan3A_680, %mul3A_862 : i32
      %add3A_864 = arith.constant 3072 : i32
      %add3A_865 = arith.addi %add3A_864, %mul3A_863 : i32
      %get3A_866 = arith.index_cast %add3A_865 : i32 to index
      %get3A_867 = tpu.vector_load %arg11[%get3A_866] {strides = array<i32>} : memref<3584xf32, #tpu.memory_space<vmem>>, vector<16xf32>,
      %get3A_868 = vector.shape_cast %get3A_867 : vector<16xf32> to vector<16xf32>
      %add3A_869 = arith.addf %add3A_861, %get3A_868 : vector<16xf32>
      %swap3A = arith.index_cast %mul3A_683 : i32 to index
      %swap3A_870 = tpu.vector_load %arg17[%swap3A] {strides = array<i32>} : memref<512xf32, #tpu.memory_space<vmem>>, vector<16xf32>,
      %swap3A_871 = vector.shape_cast %swap3A_870 : vector<16xf32> to vector<16xf32>
      %swap3A_872 = vector.shape_cast %add3A_869 : vector<16xf32> to vector<16xf32>
      tpu.vector_store %arg17[%swap3A], %swap3A_872 {strides = array<i32>} : memref<512xf32, #tpu.memory_space<vmem>>, vector<16xf32>,
      %scan3A_873 = arith.constant 0 : i32
      scf.yield %scan3A_873 : i32
    }
    %scan3A_650 = arith.constant 32 : i32
    %dma_wait3A_651 = arith.constant 0 : i32
    %dma_wait3A_652 = tpu.memref_slice %arg2[%dma_wait3A_651] : memref<2600000xf32, #tpu.memory_space<hbm>> -> memref<2600000xf32, #tpu.memory_space<hbm>>
    tpu.wait_indirect_dma semaphore(%arg20 : memref<!tpu.dma_semaphore, #tpu.memory_space<semaphore_mem>>) src(%dma_wait3A_652 : memref<2600000xf32, #tpu.memory_space<hbm>>) dst(%arg12 : memref<3584xf32, #tpu.memory_space<vmem>>)
    %scan3A_653 = arith.constant 0 : i32
    %scan3A_654 = arith.constant 0 : i32
    %scan3A_655 = arith.constant 32 : i32
    %scan3A_656 = arith.addi %scan3A_654, %scan3A_655 : i32
    %scan3A_657 = arith.constant 1 : i32
    %scan3A_658 = scf.for %scan3A_680 = %scan3A_654 to %scan3A_656 step %scan3A_657 iter_args(%scan3A_681 = %scan3A_653) -> (i32)  : i32 {
      %mul3A_682 = arith.constant 16 : i32
      %mul3A_683 = arith.muli %scan3A_680, %mul3A_682 : i32
      %get3A_684 = arith.index_cast %mul3A_683 : i32 to index
      %get3A_685 = tpu.vector_load %arg17[%get3A_684] {strides = array<i32>} : memref<512xf32, #tpu.memory_space<vmem>>, vector<16xf32>,
      %get3A_686 = vector.shape_cast %get3A_685 : vector<16xf32> to vector<16xf32>
      %mul3A_687 = arith.constant 16 : i32
      %mul3A_688 = arith.muli %scan3A_680, %mul3A_687 : i32
      %add3A_689 = arith.constant 0 : i32
      %add3A_690 = arith.addi %add3A_689, %mul3A_688 : i32
      %get3A_691 = arith.index_cast %add3A_690 : i32 to index
      %get3A_692 = tpu.vector_load %arg12[%get3A_691] {strides = array<i32>} : memref<3584xf32, #tpu.memory_space<vmem>>, vector<16xf32>,
      %get3A_693 = vector.shape_cast %get3A_692 : vector<16xf32> to vector<16xf32>
      %add3A_694 = arith.addf %get3A_686, %get3A_693 : vector<16xf32>
      %mul3A_695 = arith.constant 16 : i32
      %mul3A_696 = arith.muli %scan3A_680, %mul3A_695 : i32
      %add3A_697 = arith.constant 512 : i32
      %add3A_698 = arith.addi %add3A_697, %mul3A_696 : i32
      %get3A_699 = arith.index_cast %add3A_698 : i32 to index
      %get3A_700 = tpu.vector_load %arg12[%get3A_699] {strides = array<i32>} : memref<3584xf32, #tpu.memory_space<vmem>>, vector<16xf32>,
      %get3A_701 = vector.shape_cast %get3A_700 : vector<16xf32> to vector<16xf32>
      %add3A_702 = arith.addf %add3A_694, %get3A_701 : vector<16xf32>
      %mul3A_703 = arith.constant 16 : i32
      %mul3A_704 = arith.muli %scan3A_680, %mul3A_703 : i32
      %add3A_705 = arith.constant 1024 : i32
      %add3A_706 = arith.addi %add3A_705, %mul3A_704 : i32
      %get3A_707 = arith.index_cast %add3A_706 : i32 to index
      %get3A_708 = tpu.vector_load %arg12[%get3A_707] {strides = array<i32>} : memref<3584xf32, #tpu.memory_space<vmem>>, vector<16xf32>,
      %get3A_709 = vector.shape_cast %get3A_708 : vector<16xf32> to vector<16xf32>
      %add3A_710 = arith.addf %add3A_702, %get3A_709 : vector<16xf32>
      %mul3A_711 = arith.constant 16 : i32
      %mul3A_712 = arith.muli %scan3A_680, %mul3A_711 : i32
      %add3A_713 = arith.constant 1536 : i32
      %add3A_714 = arith.addi %add3A_713, %mul3A_712 : i32
      %get3A_715 = arith.index_cast %add3A_714 : i32 to index
      %get3A_716 = tpu.vector_load %arg12[%get3A_715] {strides = array<i32>} : memref<3584xf32, #tpu.memory_space<vmem>>, vector<16xf32>,
      %get3A_717 = vector.shape_cast %get3A_716 : vector<16xf32> to vector<16xf32>
      %add3A_718 = arith.addf %add3A_710, %get3A_717 : vector<16xf32>
      %mul3A_719 = arith.constant 16 : i32
      %mul3A_720 = arith.muli %scan3A_680, %mul3A_719 : i32
      %add3A_721 = arith.constant 2048 : i32
      %add3A_722 = arith.addi %add3A_721, %mul3A_720 : i32
      %get3A_723 = arith.index_cast %add3A_722 : i32 to index
      %get3A_724 = tpu.vector_load %arg12[%get3A_723] {strides = array<i32>} : memref<3584xf32, #tpu.memory_space<vmem>>, vector<16xf32>,
      %get3A_725 = vector.shape_cast %get3A_724 : vector<16xf32> to vector<16xf32>
      %add3A_726 = arith.addf %add3A_718, %get3A_725 : vector<16xf32>
      %mul3A_727 = arith.constant 16 : i32
      %mul3A_728 = arith.muli %scan3A_680, %mul3A_727 : i32
      %add3A_729 = arith.constant 2560 : i32
      %add3A_730 = arith.addi %add3A_729, %mul3A_728 : i32
      %get3A_731 = arith.index_cast %add3A_730 : i32 to index
      %get3A_732 = tpu.vector_load %arg12[%get3A_731] {strides = array<i32>} : memref<3584xf32, #tpu.memory_space<vmem>>, vector<16xf32>,
      %get3A_733 = vector.shape_cast %get3A_732 : vector<16xf32> to vector<16xf32>
      %add3A_734 = arith.addf %add3A_726, %get3A_733 : vector<16xf32>
      %mul3A_735 = arith.constant 16 : i32
      %mul3A_736 = arith.muli %scan3A_680, %mul3A_735 : i32
      %add3A_737 = arith.constant 3072 : i32
      %add3A_738 = arith.addi %add3A_737, %mul3A_736 : i32
      %get3A_739 = arith.index_cast %add3A_738 : i32 to index
      %get3A_740 = tpu.vector_load %arg12[%get3A_739] {strides = array<i32>} : memref<3584xf32, #tpu.memory_space<vmem>>, vector<16xf32>,
      %get3A_741 = vector.shape_cast %get3A_740 : vector<16xf32> to vector<16xf32>
      %add3A_742 = arith.addf %add3A_734, %get3A_741 : vector<16xf32>
      %swap3A = arith.index_cast %mul3A_683 : i32 to index
      %swap3A_743 = tpu.vector_load %arg17[%swap3A] {strides = array<i32>} : memref<512xf32, #tpu.memory_space<vmem>>, vector<16xf32>,
      %swap3A_744 = vector.shape_cast %swap3A_743 : vector<16xf32> to vector<16xf32>
      %swap3A_745 = vector.shape_cast %add3A_742 : vector<16xf32> to vector<16xf32>
      tpu.vector_store %arg17[%swap3A], %swap3A_745 {strides = array<i32>} : memref<512xf32, #tpu.memory_space<vmem>>, vector<16xf32>,
      %scan3A_746 = arith.constant 0 : i32
      scf.yield %scan3A_746 : i32
    }
    %scan3A_659 = arith.constant 32 : i32
    %dma_wait3A_660 = arith.constant 0 : i32
    %dma_wait3A_661 = tpu.memref_slice %arg2[%dma_wait3A_660] : memref<2600000xf32, #tpu.memory_space<hbm>> -> memref<2600000xf32, #tpu.memory_space<hbm>>
    tpu.wait_indirect_dma semaphore(%arg21 : memref<!tpu.dma_semaphore, #tpu.memory_space<semaphore_mem>>) src(%dma_wait3A_661 : memref<2600000xf32, #tpu.memory_space<hbm>>) dst(%arg13 : memref<3072xf32, #tpu.memory_space<vmem>>)
    %scan3A_662 = arith.constant 0 : i32
    %scan3A_663 = arith.constant 0 : i32
    %scan3A_664 = arith.constant 32 : i32
    %scan3A_665 = arith.addi %scan3A_663, %scan3A_664 : i32
    %scan3A_666 = arith.constant 1 : i32
    %scan3A_667 = scf.for %scan3A_680 = %scan3A_663 to %scan3A_665 step %scan3A_666 iter_args(%scan3A_681 = %scan3A_662) -> (i32)  : i32 {
      %mul3A_682 = arith.constant 16 : i32
      %mul3A_683 = arith.muli %scan3A_680, %mul3A_682 : i32
      %get3A_684 = arith.index_cast %mul3A_683 : i32 to index
      %get3A_685 = tpu.vector_load %arg17[%get3A_684] {strides = array<i32>} : memref<512xf32, #tpu.memory_space<vmem>>, vector<16xf32>,
      %get3A_686 = vector.shape_cast %get3A_685 : vector<16xf32> to vector<16xf32>
      %mul3A_687 = arith.constant 16 : i32
      %mul3A_688 = arith.muli %scan3A_680, %mul3A_687 : i32
      %add3A_689 = arith.constant 0 : i32
      %add3A_690 = arith.addi %add3A_689, %mul3A_688 : i32
      %get3A_691 = arith.index_cast %add3A_690 : i32 to index
      %get3A_692 = tpu.vector_load %arg13[%get3A_691] {strides = array<i32>} : memref<3072xf32, #tpu.memory_space<vmem>>, vector<16xf32>,
      %get3A_693 = vector.shape_cast %get3A_692 : vector<16xf32> to vector<16xf32>
      %add3A_694 = arith.addf %get3A_686, %get3A_693 : vector<16xf32>
      %mul3A_695 = arith.constant 16 : i32
      %mul3A_696 = arith.muli %scan3A_680, %mul3A_695 : i32
      %add3A_697 = arith.constant 512 : i32
      %add3A_698 = arith.addi %add3A_697, %mul3A_696 : i32
      %get3A_699 = arith.index_cast %add3A_698 : i32 to index
      %get3A_700 = tpu.vector_load %arg13[%get3A_699] {strides = array<i32>} : memref<3072xf32, #tpu.memory_space<vmem>>, vector<16xf32>,
      %get3A_701 = vector.shape_cast %get3A_700 : vector<16xf32> to vector<16xf32>
      %add3A_702 = arith.addf %add3A_694, %get3A_701 : vector<16xf32>
      %mul3A_703 = arith.constant 16 : i32
      %mul3A_704 = arith.muli %scan3A_680, %mul3A_703 : i32
      %add3A_705 = arith.constant 1024 : i32
      %add3A_706 = arith.addi %add3A_705, %mul3A_704 : i32
      %get3A_707 = arith.index_cast %add3A_706 : i32 to index
      %get3A_708 = tpu.vector_load %arg13[%get3A_707] {strides = array<i32>} : memref<3072xf32, #tpu.memory_space<vmem>>, vector<16xf32>,
      %get3A_709 = vector.shape_cast %get3A_708 : vector<16xf32> to vector<16xf32>
      %add3A_710 = arith.addf %add3A_702, %get3A_709 : vector<16xf32>
      %mul3A_711 = arith.constant 16 : i32
      %mul3A_712 = arith.muli %scan3A_680, %mul3A_711 : i32
      %add3A_713 = arith.constant 1536 : i32
      %add3A_714 = arith.addi %add3A_713, %mul3A_712 : i32
      %get3A_715 = arith.index_cast %add3A_714 : i32 to index
      %get3A_716 = tpu.vector_load %arg13[%get3A_715] {strides = array<i32>} : memref<3072xf32, #tpu.memory_space<vmem>>, vector<16xf32>,
      %get3A_717 = vector.shape_cast %get3A_716 : vector<16xf32> to vector<16xf32>
      %add3A_718 = arith.addf %add3A_710, %get3A_717 : vector<16xf32>
      %mul3A_719 = arith.constant 16 : i32
      %mul3A_720 = arith.muli %scan3A_680, %mul3A_719 : i32
      %add3A_721 = arith.constant 2048 : i32
      %add3A_722 = arith.addi %add3A_721, %mul3A_720 : i32
      %get3A_723 = arith.index_cast %add3A_722 : i32 to index
      %get3A_724 = tpu.vector_load %arg13[%get3A_723] {strides = array<i32>} : memref<3072xf32, #tpu.memory_space<vmem>>, vector<16xf32>,
      %get3A_725 = vector.shape_cast %get3A_724 : vector<16xf32> to vector<16xf32>
      %add3A_726 = arith.addf %add3A_718, %get3A_725 : vector<16xf32>
      %mul3A_727 = arith.constant 16 : i32
      %mul3A_728 = arith.muli %scan3A_680, %mul3A_727 : i32
      %add3A_729 = arith.constant 2560 : i32
      %add3A_730 = arith.addi %add3A_729, %mul3A_728 : i32
      %get3A_731 = arith.index_cast %add3A_730 : i32 to index
      %get3A_732 = tpu.vector_load %arg13[%get3A_731] {strides = array<i32>} : memref<3072xf32, #tpu.memory_space<vmem>>, vector<16xf32>,
      %get3A_733 = vector.shape_cast %get3A_732 : vector<16xf32> to vector<16xf32>
      %add3A_734 = arith.addf %add3A_726, %get3A_733 : vector<16xf32>
      %swap3A = arith.index_cast %mul3A_683 : i32 to index
      %swap3A_735 = tpu.vector_load %arg17[%swap3A] {strides = array<i32>} : memref<512xf32, #tpu.memory_space<vmem>>, vector<16xf32>,
      %swap3A_736 = vector.shape_cast %swap3A_735 : vector<16xf32> to vector<16xf32>
      %swap3A_737 = vector.shape_cast %add3A_734 : vector<16xf32> to vector<16xf32>
      tpu.vector_store %arg17[%swap3A], %swap3A_737 {strides = array<i32>} : memref<512xf32, #tpu.memory_space<vmem>>, vector<16xf32>,
      %scan3A_738 = arith.constant 0 : i32
      scf.yield %scan3A_738 : i32
    }
    %scan3A_668 = arith.constant 32 : i32
    %dma_wait3A_669 = arith.constant 0 : i32
    %dma_wait3A_670 = tpu.memref_slice %arg2[%dma_wait3A_669] : memref<2600000xf32, #tpu.memory_space<hbm>> -> memref<2600000xf32, #tpu.memory_space<hbm>>
    tpu.wait_indirect_dma semaphore(%arg22 : memref<!tpu.dma_semaphore, #tpu.memory_space<semaphore_mem>>) src(%dma_wait3A_670 : memref<2600000xf32, #tpu.memory_space<hbm>>) dst(%arg14 : memref<3072xf32, #tpu.memory_space<vmem>>)
    %scan3A_671 = arith.constant 0 : i32
    %scan3A_672 = arith.constant 0 : i32
    %scan3A_673 = arith.constant 32 : i32
    %scan3A_674 = arith.addi %scan3A_672, %scan3A_673 : i32
    %scan3A_675 = arith.constant 1 : i32
    %scan3A_676 = scf.for %scan3A_680 = %scan3A_672 to %scan3A_674 step %scan3A_675 iter_args(%scan3A_681 = %scan3A_671) -> (i32)  : i32 {
      %mul3A_682 = arith.constant 16 : i32
      %mul3A_683 = arith.muli %scan3A_680, %mul3A_682 : i32
      %get3A_684 = arith.index_cast %mul3A_683 : i32 to index
      %get3A_685 = tpu.vector_load %arg17[%get3A_684] {strides = array<i32>} : memref<512xf32, #tpu.memory_space<vmem>>, vector<16xf32>,
      %get3A_686 = vector.shape_cast %get3A_685 : vector<16xf32> to vector<16xf32>
      %mul3A_687 = arith.constant 16 : i32
      %mul3A_688 = arith.muli %scan3A_680, %mul3A_687 : i32
      %add3A_689 = arith.constant 0 : i32
      %add3A_690 = arith.addi %add3A_689, %mul3A_688 : i32
      %get3A_691 = arith.index_cast %add3A_690 : i32 to index
      %get3A_692 = tpu.vector_load %arg14[%get3A_691] {strides = array<i32>} : memref<3072xf32, #tpu.memory_space<vmem>>, vector<16xf32>,
      %get3A_693 = vector.shape_cast %get3A_692 : vector<16xf32> to vector<16xf32>
      %add3A_694 = arith.addf %get3A_686, %get3A_693 : vector<16xf32>
      %mul3A_695 = arith.constant 16 : i32
      %mul3A_696 = arith.muli %scan3A_680, %mul3A_695 : i32
      %add3A_697 = arith.constant 512 : i32
      %add3A_698 = arith.addi %add3A_697, %mul3A_696 : i32
      %get3A_699 = arith.index_cast %add3A_698 : i32 to index
      %get3A_700 = tpu.vector_load %arg14[%get3A_699] {strides = array<i32>} : memref<3072xf32, #tpu.memory_space<vmem>>, vector<16xf32>,
      %get3A_701 = vector.shape_cast %get3A_700 : vector<16xf32> to vector<16xf32>
      %add3A_702 = arith.addf %add3A_694, %get3A_701 : vector<16xf32>
      %mul3A_703 = arith.constant 16 : i32
      %mul3A_704 = arith.muli %scan3A_680, %mul3A_703 : i32
      %add3A_705 = arith.constant 1024 : i32
      %add3A_706 = arith.addi %add3A_705, %mul3A_704 : i32
      %get3A_707 = arith.index_cast %add3A_706 : i32 to index
      %get3A_708 = tpu.vector_load %arg14[%get3A_707] {strides = array<i32>} : memref<3072xf32, #tpu.memory_space<vmem>>, vector<16xf32>,
      %get3A_709 = vector.shape_cast %get3A_708 : vector<16xf32> to vector<16xf32>
      %add3A_710 = arith.addf %add3A_702, %get3A_709 : vector<16xf32>
      %mul3A_711 = arith.constant 16 : i32
      %mul3A_712 = arith.muli %scan3A_680, %mul3A_711 : i32
      %add3A_713 = arith.constant 1536 : i32
      %add3A_714 = arith.addi %add3A_713, %mul3A_712 : i32
      %get3A_715 = arith.index_cast %add3A_714 : i32 to index
      %get3A_716 = tpu.vector_load %arg14[%get3A_715] {strides = array<i32>} : memref<3072xf32, #tpu.memory_space<vmem>>, vector<16xf32>,
      %get3A_717 = vector.shape_cast %get3A_716 : vector<16xf32> to vector<16xf32>
      %add3A_718 = arith.addf %add3A_710, %get3A_717 : vector<16xf32>
      %mul3A_719 = arith.constant 16 : i32
      %mul3A_720 = arith.muli %scan3A_680, %mul3A_719 : i32
      %add3A_721 = arith.constant 2048 : i32
      %add3A_722 = arith.addi %add3A_721, %mul3A_720 : i32
      %get3A_723 = arith.index_cast %add3A_722 : i32 to index
      %get3A_724 = tpu.vector_load %arg14[%get3A_723] {strides = array<i32>} : memref<3072xf32, #tpu.memory_space<vmem>>, vector<16xf32>,
      %get3A_725 = vector.shape_cast %get3A_724 : vector<16xf32> to vector<16xf32>
      %add3A_726 = arith.addf %add3A_718, %get3A_725 : vector<16xf32>
      %mul3A_727 = arith.constant 16 : i32
      %mul3A_728 = arith.muli %scan3A_680, %mul3A_727 : i32
      %add3A_729 = arith.constant 2560 : i32
      %add3A_730 = arith.addi %add3A_729, %mul3A_728 : i32
      %get3A_731 = arith.index_cast %add3A_730 : i32 to index
      %get3A_732 = tpu.vector_load %arg14[%get3A_731] {strides = array<i32>} : memref<3072xf32, #tpu.memory_space<vmem>>, vector<16xf32>,
      %get3A_733 = vector.shape_cast %get3A_732 : vector<16xf32> to vector<16xf32>
      %add3A_734 = arith.addf %add3A_726, %get3A_733 : vector<16xf32>
      %swap3A = arith.index_cast %mul3A_683 : i32 to index
      %swap3A_735 = tpu.vector_load %arg17[%swap3A] {strides = array<i32>} : memref<512xf32, #tpu.memory_space<vmem>>, vector<16xf32>,
      %swap3A_736 = vector.shape_cast %swap3A_735 : vector<16xf32> to vector<16xf32>
      %swap3A_737 = vector.shape_cast %add3A_734 : vector<16xf32> to vector<16xf32>
      tpu.vector_store %arg17[%swap3A], %swap3A_737 {strides = array<i32>} : memref<512xf32, #tpu.memory_space<vmem>>, vector<16xf32>,
      %scan3A_738 = arith.constant 0 : i32
      scf.yield %scan3A_738 : i32
    }
    %scan3A_677 = arith.constant 32 : i32
    %mul3A_678 = arith.constant 512 : i32
    %mul3A_679 = arith.muli %add3A, %mul3A_678 : i32
    %multiple_of3A = tpu.assume_multiple %mul3A_679, 512 : i32
    "tpu.region"() ({
      %run_scoped3A = tpu.sem_alloc : memref<!tpu.dma_semaphore, #tpu.memory_space<semaphore_mem>>
      %dma_start3A_680 = tpu.memref_slice %arg6[%multiple_of3A] : memref<16384xf32, #tpu.memory_space<hbm>> -> memref<512xf32, #tpu.memory_space<hbm>>
      %dma_start3A_681 = tpu.memref_slice %arg6[%multiple_of3A] : memref<16384xf32, #tpu.memory_space<hbm>> -> memref<512xf32, #tpu.memory_space<hbm>>
      tpu.enqueue_dma source(%arg17 : memref<512xf32, #tpu.memory_space<vmem>>) target(%dma_start3A_681 : memref<512xf32, #tpu.memory_space<hbm>>) target_semaphore(%run_scoped3A : memref<!tpu.dma_semaphore, #tpu.memory_space<semaphore_mem>>)
      %dma_wait3A_682 = tpu.memref_slice %arg6[%multiple_of3A] : memref<16384xf32, #tpu.memory_space<hbm>> -> memref<512xf32, #tpu.memory_space<hbm>>
      %dma_wait3A_683 = tpu.memref_slice %arg6[%multiple_of3A] : memref<16384xf32, #tpu.memory_space<hbm>> -> memref<512xf32, #tpu.memory_space<hbm>>
      tpu.wait_dma2 semaphore(%run_scoped3A : memref<!tpu.dma_semaphore, #tpu.memory_space<semaphore_mem>>) src(%arg17 : memref<512xf32, #tpu.memory_space<vmem>>) dst(%dma_wait3A_683 : memref<512xf32, #tpu.memory_space<hbm>>)
      tpu.yield
    }) : () -> ()
    return
  }
}

#map = affine_map<(d0, d1) -> (0, 0, 0)>
#map1 = affine_map<(d0, d1) -> (0)>
module attributes {stable_mosaic.version = 14 : i64} {
  func.func @_sc_flatten_tables(%arg0: i32, %arg1: i32, %arg2: memref<26x1x100000xf32, #tpu.memory_space<hbm>>, %arg3: memref<2600000xf32, #tpu.memory_space<hbm>>, %arg4: memref<100000xf32, #tpu.memory_space<vmem>>) attributes {dimension_semantics = [#tpu.dimension_semantics<core_parallel>, #tpu.dimension_semantics<subcore_parallel>], iteration_bounds = array<i64: 2, 16>, scalar_prefetch = 0 : i64, scratch_operands = 1 : i64, tpu.core_type = #tpu.core_type<sc_vector_subcore>, window_params = [{transform_indices = #map}, {transform_indices = #map1}]} {
    %mul3A = arith.constant 2 : i32
    %mul3A_0 = arith.muli %arg1, %mul3A : i32
    %add3A = arith.addi %mul3A_0, %arg0 : i32
    %lt3A = arith.constant 26 : i32
    %lt3A_1 = arith.cmpi slt, %add3A, %lt3A : i32
    %convert_element_type3A = arith.extui %lt3A_1 : i1 to i32
    %cond3A = arith.constant 0 : i32
    %cond3A_2 = arith.cmpi ne, %convert_element_type3A, %cond3A : i32
    scf.if %cond3A_2 {
      %run_scoped3A = arith.constant 0 : i32
      "tpu.region"() ({
        %run_scoped3A_5 = tpu.sem_alloc : memref<!tpu.dma_semaphore, #tpu.memory_space<semaphore_mem>>
        %dma_start3A = arith.constant 0 : i32
        %dma_start3A_6 = tpu.memref_slice %arg2[%add3A, %run_scoped3A, %dma_start3A] : memref<26x1x100000xf32, #tpu.memory_space<hbm>> -> memref<1x1x100000xf32, #tpu.memory_space<hbm>>
        %dma_start3A_7 = tpu.memref_squeeze %dma_start3A_6 : memref<1x1x100000xf32, #tpu.memory_space<hbm>> -> memref<100000xf32, #tpu.memory_space<hbm>>
        %dma_start3A_8 = arith.constant 0 : i32
        %dma_start3A_9 = tpu.memref_slice %arg2[%add3A, %run_scoped3A, %dma_start3A_8] : memref<26x1x100000xf32, #tpu.memory_space<hbm>> -> memref<1x1x100000xf32, #tpu.memory_space<hbm>>
        %dma_start3A_10 = tpu.memref_squeeze %dma_start3A_9 : memref<1x1x100000xf32, #tpu.memory_space<hbm>> -> memref<100000xf32, #tpu.memory_space<hbm>>
        tpu.enqueue_dma source(%dma_start3A_10 : memref<100000xf32, #tpu.memory_space<hbm>>) target(%arg4 : memref<100000xf32, #tpu.memory_space<vmem>>) target_semaphore(%run_scoped3A_5 : memref<!tpu.dma_semaphore, #tpu.memory_space<semaphore_mem>>)
        %dma_wait3A = arith.constant 0 : i32
        %dma_wait3A_11 = tpu.memref_slice %arg2[%add3A, %run_scoped3A, %dma_wait3A] : memref<26x1x100000xf32, #tpu.memory_space<hbm>> -> memref<1x1x100000xf32, #tpu.memory_space<hbm>>
        %dma_wait3A_12 = tpu.memref_squeeze %dma_wait3A_11 : memref<1x1x100000xf32, #tpu.memory_space<hbm>> -> memref<100000xf32, #tpu.memory_space<hbm>>
        %dma_wait3A_13 = arith.constant 0 : i32
        %dma_wait3A_14 = tpu.memref_slice %arg2[%add3A, %run_scoped3A, %dma_wait3A_13] : memref<26x1x100000xf32, #tpu.memory_space<hbm>> -> memref<1x1x100000xf32, #tpu.memory_space<hbm>>
        %dma_wait3A_15 = tpu.memref_squeeze %dma_wait3A_14 : memref<1x1x100000xf32, #tpu.memory_space<hbm>> -> memref<100000xf32, #tpu.memory_space<hbm>>
        tpu.wait_dma2 semaphore(%run_scoped3A_5 : memref<!tpu.dma_semaphore, #tpu.memory_space<semaphore_mem>>) src(%dma_wait3A_15 : memref<100000xf32, #tpu.memory_space<hbm>>) dst(%arg4 : memref<100000xf32, #tpu.memory_space<vmem>>)
        tpu.yield
      }) : () -> ()
      %mul3A_3 = arith.constant 100000 : i32
      %mul3A_4 = arith.muli %add3A, %mul3A_3 : i32
      "tpu.region"() ({
        %run_scoped3A_5 = tpu.sem_alloc : memref<!tpu.dma_semaphore, #tpu.memory_space<semaphore_mem>>
        %dma_start3A = tpu.memref_slice %arg3[%mul3A_4] : memref<2600000xf32, #tpu.memory_space<hbm>> -> memref<100000xf32, #tpu.memory_space<hbm>>
        %dma_start3A_6 = tpu.memref_slice %arg3[%mul3A_4] : memref<2600000xf32, #tpu.memory_space<hbm>> -> memref<100000xf32, #tpu.memory_space<hbm>>
        tpu.enqueue_dma source(%arg4 : memref<100000xf32, #tpu.memory_space<vmem>>) target(%dma_start3A_6 : memref<100000xf32, #tpu.memory_space<hbm>>) target_semaphore(%run_scoped3A_5 : memref<!tpu.dma_semaphore, #tpu.memory_space<semaphore_mem>>)
        %dma_wait3A = tpu.memref_slice %arg3[%mul3A_4] : memref<2600000xf32, #tpu.memory_space<hbm>> -> memref<100000xf32, #tpu.memory_space<hbm>>
        %dma_wait3A_7 = tpu.memref_slice %arg3[%mul3A_4] : memref<2600000xf32, #tpu.memory_space<hbm>> -> memref<100000xf32, #tpu.memory_space<hbm>>
        tpu.wait_dma2 semaphore(%run_scoped3A_5 : memref<!tpu.dma_semaphore, #tpu.memory_space<semaphore_mem>>) src(%arg4 : memref<100000xf32, #tpu.memory_space<vmem>>) dst(%dma_wait3A_7 : memref<100000xf32, #tpu.memory_space<hbm>>)
        tpu.yield
      }) : () -> ()
    } else {
    }
    return
  }
}

</mosaic_0001>

<sc_bundles>
// kernel: _run.4.cloned.1.call-start
scs
__scs_entry_jumppad:
0x0: {  	(pc) =	sbr.rel $0x88, $3  }
0x1: {  	(tag) =	ssettag $0x0;
	lr =	simm.s32 $0x1  }
0x2: {  	[smem:$0x3F83] =	sst lr;
	_ =	strace $0xD0000000  }
0x3: {  	_ = 	snop  }
0x4: {  	_ = 	snop  }
0x5: {  	_ = 	snop  }
0x6: {  	_ = 	snop  }
0x7: {  	_ = 	snop  }
__scs_overlays_trampoline_lowered:
0x8: {  	[smem:$0x3F92] =	sst s0  }
0x9: {  	[smem:$0x3F93] =	sst s1  }
0xa: {  	[smem:$0x3F94] =	sst s2  }
0xb: {  	[smem:$0x3F95] =	sst s3  }
0xc: {  	[smem:$0x3F96] =	sst s4  }
0xd: {  	[smem:$0x3F97] =	sst s5  }
0xe: {  	[smem:$0x3F98] =	sst s6  }
0xf: {  	[smem:$0x3F99] =	sst s7  }
0x10: {  	[smem:$0x3F9A] =	sst s8  }
0x11: {  	[smem:$0x3F9B] =	sst s9;
	s0 =	simm.s32 @!p0 $0x0  }
0x12: {  	s1 =	sld [smem:$0x3F81];
	s0 =	simm.s32 @p0 $0x1  }
0x13: {  	[smem:$0x3F9C] =	sst s0;
	s0 =	simm.s32 @!p1 $0x0  }
0x14: {  	s2 =	sld [smem:$0x3F80];
	s0 =	simm.s32 @p1 $0x1  }
0x15: {  	[smem:$0x3F9D] =	sst s0;
	s0 =	simm.s32 @!p2 $0x0  }
0x16: {  	s3 =	sld [smem:$0x3FDB];
	s0 =	simm.s32 @p2 $0x1  }
0x17: {  	s4 =	simm.s32 $0x1BF5;
	[smem:$0x3F9F] =	sst s0  }
0x18: {  	s0 =	sld [smem:$0x3F82];
	_ =	swait.ge [sflag:s4], $0x0  }
0x19: {  	s7 =	sld [smem:$0x3F83]  }
0x1a: {  	s8 =	sadd.s32 $0xFFFFE003, lr  }
0x1b: {  	s9 =	sadd.s32 $0xFFFFFEF7, lr;
	s5 =	simm.s32 $0xFFFFFFFF;
	p2 =	slt.u32 s8, $0xFFFFF086  }
0x1c: {  	p1 =	slt.u32 s9, $0xF7A;
	s5 =	simm.s32 @!p2 $0x0  }
0x1d: {  	s5 =	simm.s32 @p1 $0x1;
	p0 =	seq.s32 s7, s2  }
0x1e: {  	s7 =	smul.u32 @!p0 $0xF7A, s2;
	p2 =	seq.s32 @!p0 s5, $0x0  }
0x1f: {  	s9 =	smul.u32 $0xF7A, s1;
	s8 =	simm.s32 @!p0 $0x1BF5;
	p2 =	por !p2, p0  }
0x20: {  	[sflag:s8] =	ssyncset.s32 @!p0 $0xFFFFF086;
	s6 =	sadd.s32 @!p0 s3, s7;
	s7 =	simm.s32 @!p0 $0x108  }
0x21: {  	s3 =	sadd.s32 s3, s9;
	s6 =	sadd.s32 @!p0 $0x88, s6;
	s7 =	simm.s32 @p2 $0x1082  }
0x22: {  	[simem:s7], [sflag:s8] =	dma.local @!p0 [hbm:s6], $0xF7A  }
0x23: {  	s9 =	sor.u32 $0xD0000000, s2;
	s6 =	simm.s32 $0x108;
	_ =	swait.ge @!p0 [sflag:s8], $0x0  }
0x24: {  	s3 =	sadd.s32 $0x88, s3;
	s6 =	simm.s32 @!p1 $0x1082;
	[sflag:s4] =	ssyncset.s32 $0xFFFFF086  }
0x25: {  	[simem:s6], [sflag:s4] =	dma.local [hbm:s3], $0xF7A  }
0x26: {  	[smem:$0x3F83] =	sst s1;
	(tag) =	ssettag s2;
	_ =	strace s9  }
0x27: {  	s1 =	sld [smem:$0x3F93]  }
0x28: {  	s2 =	sld [smem:$0x3F94]  }
0x29: {  	s4 =	sld [smem:$0x3F96]  }
0x2a: {  	p0 =	seq.s32 s5, $0x0;
	s5 =	sld [smem:$0x3F97]  }
0x2b: {  	s6 =	sld [smem:$0x3F98]  }
0x2c: {  	s7 =	sld [smem:$0x3F99]  }
0x2d: {  	s3 =	simm.s32 $0x108;
	s8 =	sld [smem:$0x3F9A]  }
0x2e: {  	s3 =	simm.s32 @!p0 $0x1082;
	s9 =	sld [smem:$0x3F9B]  }
0x2f: {  	lr =	sadd.s32 s0, s3;
	s0 =	sld [smem:$0x3F92]  }
0x30: {  	s3 =	sld [smem:$0x3F95]  }
0x31: {  	[smem:$0x3F9E] =	sst s10  }
0x32: {  	s10 =	sld [smem:$0x3F9C];
	_ =	sdelay $0x3  }
0x33: {  	p0 =	seq.s32 s10, $0x1;
	s10 =	sld [smem:$0x3F9E];
	_ =	sdelay $0x3  }
0x34: {  	[smem:$0x3F9E] =	sst s10  }
0x35: {  	s10 =	sld [smem:$0x3F9D];
	_ =	sdelay $0x3  }
0x36: {  	p1 =	seq.s32 s10, $0x1;
	s10 =	sld [smem:$0x3F9E];
	_ =	sdelay $0x3  }
0x37: {  	[smem:$0x3F9E] =	sst s10  }
0x38: {  	s10 =	sld [smem:$0x3F9F]  }
0x39: {  	_ = 	snop;
	(pc) =	sbr.ind lr, $3  }
0x3a: {  	_ = 	snop  }
0x3b: {  	_ = 	snop  }
0x3c: {  	p2 =	seq.s32 s10, $0x1;
	s10 =	sld [smem:$0x3F9E]  }
0x3d: {  	_ =	shalt  }
0x3e: {  	_ =	shalt  }
0x3f: {  	_ =	shalt  }
0x40: {  	_ =	shalt  }
0x41: {  	_ =	shalt  }
0x42: {  	_ =	shalt  }
0x43: {  	_ =	shalt  }
0x44: {  	_ =	shalt  }
0x45: {  	_ =	shalt  }
0x46: {  	_ =	shalt  }
0x47: {  	_ =	shalt  }
0x48: {  	_ =	shalt  }
0x49: {  	_ =	shalt  }
0x4a: {  	_ =	shalt  }
0x4b: {  	_ =	shalt  }
0x4c: {  	_ =	shalt  }
0x4d: {  	_ =	shalt  }
0x4e: {  	_ =	shalt  }
0x4f: {  	_ =	shalt  }
0x50: {  	_ =	shalt  }
0x51: {  	_ =	shalt  }
0x52: {  	_ =	shalt  }
0x53: {  	_ =	shalt  }
0x54: {  	_ =	shalt  }
0x55: {  	_ =	shalt  }
0x56: {  	_ =	shalt  }
0x57: {  	_ =	shalt  }
0x58: {  	_ =	shalt  }
0x59: {  	_ =	shalt  }
0x5a: {  	_ =	shalt  }
0x5b: {  	_ =	shalt  }
0x5c: {  	_ =	shalt  }
0x5d: {  	_ =	shalt  }
0x5e: {  	_ =	shalt  }
0x5f: {  	_ =	shalt  }
0x60: {  	_ =	shalt  }
0x61: {  	_ =	shalt  }
0x62: {  	_ =	shalt  }
0x63: {  	_ =	shalt  }
0x64: {  	_ =	shalt  }
0x65: {  	_ =	shalt  }
0x66: {  	_ =	shalt  }
0x67: {  	_ =	shalt  }
0x68: {  	_ =	shalt  }
0x69: {  	_ =	shalt  }
0x6a: {  	_ =	shalt  }
0x6b: {  	_ =	shalt  }
0x6c: {  	_ =	shalt  }
0x6d: {  	_ =	shalt  }
0x6e: {  	_ =	shalt  }
0x6f: {  	_ =	shalt  }
0x70: {  	_ =	shalt  }
0x71: {  	_ =	shalt  }
0x72: {  	_ =	shalt  }
0x73: {  	_ =	shalt  }
0x74: {  	_ =	shalt  }
0x75: {  	_ =	shalt  }
0x76: {  	_ =	shalt  }
0x77: {  	_ =	shalt  }
0x78: {  	_ =	shalt  }
0x79: {  	_ =	shalt  }
0x7a: {  	_ =	shalt  }
0x7b: {  	_ =	shalt  }
0x7c: {  	_ =	shalt  }
0x7d: {  	_ =	shalt  }
0x7e: {  	_ =	shalt  }
0x7f: {  	_ =	shalt  }
0x80: {  	_ =	shalt  }
0x81: {  	_ =	shalt  }
0x82: {  	_ =	shalt  }
0x83: {  	_ =	shalt  }
0x84: {  	_ =	shalt  }
0x85: {  	_ =	shalt  }
0x86: {  	_ =	shalt  }
0x87: {  	_ =	shalt  }
.Lfunc_end0:
.L_simem_size_0:
called_computation_lowered:
.L_overlay_start_0:
0x88: {  	s2 =	sld [smem:$0x3FD9]  }
0x89: {  	s3 =	sld [smem:$0x3FFE];
	_ =	sdelay $0x1  }
0x8a: {  	s1 =	srdreg.scid  }
0x8b: {  	s0 =	sand.u32 $0x1, s1  }
0x8c: {  	s17 =	sshll.u32 s0, $0xA;
	s2 =	sadd.s32 s3, s2  }
0x8d: {  	s2 =	sadd.s32 s2, s17  }
0x8e: {  	[smem:$0x3FAA] =	sst s2  }
0x8f: {  	_ = 	snop  }
0x90: {  	s2 =	sld [smem:$0x3FAE];
	(tm) =	ssettm $0x1  }
0x91: {  	s18 =	sld [smem:$0x3FFB];
	_ =	sdelay $0x3  }
0x92: {  	_ =	strace s18  }
0x93: {  	s3 =	sld [smem:$0x3FFC];
	_ =	sdelay $0x3  }
0x94: {  	_ =	strace s3  }
0x95: {  	s3 =	sld [smem:$0x3FFD];
	_ =	sdelay $0x3  }
0x96: {  	_ =	strace s3  }
0x97: {  	_ =	strace $0x8FFFFFFF  }
0x98: {  	s19 =	sld [smem:$0x3FDB];
	_ =	sdelay $0x1  }
0x99: {  	s4 =	simm.s32 $_scs_section_size  }
0x9a: {  	s5 =	simm.s32 $_size__tile_overlayer_lowered;
	s6 =	simm.s32 $_tile_overlayer_lowered  }
0x9b: {  	s22 =	simm.s32 $0x1BFF;
	s21 =	sshll.u32 s6, $0x1;
	s3 =	sadd.s32 s4, s19  }
0x9c: {  	s7 =	simm.s32 $0x0;
	s20 =	sshll.u32 s5, $0x1;
	s5 =	sadd.s32 s21, s3  }
0x9d: {  	[timem:s7], [sflag:s22] =	dma.local [hbm:s5], s20  }
0x9e: {  	_ =	swait.ge [sflag:s22], s20  }
0x9f: {  	s4 =	ssub.s32 $0x0, s20;
	[sflag:s22] =	ssyncset.done $0x0  }
0xa0: {  	[sflag:s22] =	ssyncadd.s32 s4;
	_ =	sdelay $0x1  }
0xa1: {  	s23 =	simm.s32 $0x1B8B  }
0xa2: {  	_ =	swait.ge [sflag:s23], $0x1  }
0xa3: {  	[sflag:s23] =	ssyncset.done $0x0  }
0xa4: {  	s25 =	simm.s32 $0x1B8E;
	s24 =	sld [smem:$0x3FFE];
	[sflag:s23] =	ssyncadd.s32 $0xFFFFFFFF  }
0xa5: {  	s26 =	simm.s32 $execute0_lowered;
	[smem:$0x3FD2] =	sst s25  }
0xa6: {  	s5 =	sshll.u32 s26, $0x1;
	_ =	strace $0x80000046;
	[dreg:$0x1] =	wrdreg $0xFFFFFFFF  }
0xa7: {  	s28 =	simm.s32 $_size_execute0_lowered;
	s3 =	sadd.s32 s3, s5;
	[dreg:$0x0] =	wrdreg $0x0  }
0xa8: {  	s5 =	sshll.u32 s28, $0x1;
	[dreg:$0x2] =	wrdreg s3  }
0xa9: {  	[dreg:$0x3] =	wrdreg s5  }
0xaa: {  	[dreg:$0x4] =	wrdreg $0xC0  }
0xab: {  	_ =	task [dreg:s7], $0x5FFFF  }
0xac: {  	[dreg:$0x1] =	wrdreg $0xFFFFFFFF  }
0xad: {  	[dreg:$0x0] =	wrdreg $0x60  }
0xae: {  	[dreg:$0x2] =	wrdreg s2  }
0xaf: {  	[dreg:$0x3] =	wrdreg s24  }
0xb0: {  	[dreg:$0x4] =	wrdreg $0x9  }
0xb1: {  	_ =	task.clear_ibuf [dreg:s7], $0x5FFFF;
	_ =	strace $0x90000046  }
0xb2: {  	s29 =	simm.s32 $0x9;
	_ =	strace $0x80000048  }
0xb3: {  	_ =	swait.ge [sflag:s29], $0x1  }
0xb4: {  	[sflag:s29] =	ssyncadd.s32 $0xFFFFFFFF  }
0xb5: {  	_ =	strace $0x90000048  }
0xb6: {  	_ =	sfence  }
0xb7: {  	s30 =	sld [smem:$0x0];
	_ =	sdelay $0x2  }
0xb8: {  	s31 =	sshll.u32 s1, $0xD;
	s1 =	sshrl.u32 s1, $0x2  }
0xb9: {  	s3 =	sand.u32 $0x4000, s31;
	s1 =	sadd.s32 s1, s30  }
0xba: {  	s0 =	sor.u32 s3, s0;
	s1 =	sshll.u32 s1, $0x11  }
0xbb: {  	s0 =	sor.u32 s1, s0  }
0xbc: {  	s0 =	sadd.s32 $0x8F2B, s0  }
0xbd: {  	[sflag:s0] =	ssyncadd.remote.s32 $0x1  }
0xbe: {  	_ =	sfence.sel $0xFFFF  }
0xbf: {  	[dreg:$0x0] =	wrdreg $0xFFFFFFFF;
	(pc) =	sbr.abs _section_cstart, $3  }
0xc0: {  	[dreg:$0x1] =	wrdreg $0xFFFFFFFF  }
0xc1: {  	_ =	task.clear_ibuf [dreg:s7], $0x2FFFF;
	_ =	strace $0x9FFFFFFF  }
0xc2: {  	(tm) =	ssettm $0x7FFFFFFF  }
0xc3: {  	_ =	shalt  }
tec
execute0_lowered:
.L_overlay_start_1:
0x0: {  	(tag) =	ssettag $0x1  }
0x1: {  	s1 =	stileid.u32  }
0x2: {  	p0 =	sgt.u32 s1, $0xC  }
.Ltmp0:
0x3: {  	_ = 	snop;
	(pc) =	sbr.rel @p0 .LBB2_4-.Ltmp0, $4  }
0x4: {  	s3 =	rddreg [dreg:$0x0]  }
0x5: {  	s5 =	rddreg [dreg:$0x1];
	s2 =	simm.s32 $0x0  }
0x6: {  	[smem:$0x7FF] =	sst s2  }
0x7: {  	s0 =	rddreg [dreg:$0x2];
	_ =	strace $0x80000047  }
0x8: {  	s4 =	srdreg.scid  }
0x9: {  	s6 =	sshll.u32 s1, $0x1;
	s4 =	sand.u32 $0x1, s4  }
0xa: {  	s6 =	sor.u32 s4, s6  }
0xb: {  	s8 =	ssub.s32 $0x2, s4;
	s7 =	smul.u32 $0x30E0, s6  }
0xc: {  	s6 =	smul.u32 $0x30D4, s6;
	s30 =	sshrl.u32 s8, $0x1  }
0xd: {  	s31 =	ssub.s32 s8, s30;
	s4 =	sadd.s32 s3, s7  }
0xe: {  	s3 =	simm.s32 $0x1;
	s5 =	sadd.s32 s6, s5;
	s6 =	smax.u32 s31, $0x1  }
0xf: {  	[tilespmem:s2], [sflag:$0x1] =	stream.linear.gather [hbm4b:s4+s2], $0x18700, $0x38;
	[tilespmem:$0x18700] =	vst v63  }
0x10: {  	p0 =	sne.s32 s6, $0x1;
	_ =	swait.ge [sflag:s3], $0x18700  }
.Ltmp1:
0x11: {  	[sflag:s3] =	ssyncset.done $0x0;
	(pc) =	sbr.rel @!p0 .LBB2_3-.Ltmp1, $4  }
0x12: {  	s5 =	sadd.s32 $0x3E00, s5;
	[sflag:s3] =	ssyncadd.s32 $0xFFFE7900  }
0x13: {  	[hbm4b:s5+s2] =	stream.linear.scatter [tilespmem:s2], [sflag:$0x1], $0x186A0, $0x38;
	[tilespmem:$0x18700] =	vst v63  }
0x14: {  	_ =	swait.ge [sflag:s3], $0x186A0  }
0x15: {  	s6 =	sadd.s32 $0xFFFFFFFF, s6;
	[sflag:s3] =	ssyncset.done $0x0  }
.LBB2_2:
0x16: {  	p0 =	sne.s32 s6, $0x1;
	s6 =	sadd.s32 $0xFFFFFFFF, s6;
	[sflag:s3] =	ssyncadd.s32 $0xFFFE7960  }
0x17: {  	[tilespmem:s2], [sflag:$0x1] =	stream.linear.gather [hbm4b:s4+s2], $0x18700, $0x38;
	[tilespmem:$0x18700] =	vst v63  }
0x18: {  	_ =	swait.ge [sflag:s3], $0x18700  }
.Ltmp2:
0x19: {  	[sflag:s3] =	ssyncset.done $0x0;
	(pc) =	sbr.rel @p0 .LBB2_2-.Ltmp2, $4  }
0x1a: {  	[sflag:s3] =	ssyncadd.s32 $0xFFFE7900  }
0x1b: {  	[hbm4b:s5+s2] =	stream.linear.scatter [tilespmem:s2], [sflag:$0x1], $0x186A0, $0x38;
	[tilespmem:$0x18700] =	vst v63  }
0x1c: {  	_ =	swait.ge [sflag:s3], $0x186A0  }
0x1d: {  	[sflag:s3] =	ssyncset.done $0x0  }
.LBB2_3:
0x1e: {  	[sflag:s3] =	ssyncadd.s32 $0xFFFE7960  }
.LBB2_4:
0x1f: {  	_ =	sfence.sel $0x180000  }
0x20: {  	[bflag:$0x0] =	sbarrier.arrive $0xFFFF  }
0x21: {  	p0 =	sne.s32 s1, $0x0;
	_ =	strace $0x90000047  }
0x22: {  	s0 =	sadd.s32 @!p0 $0x100000, s0;
	[bflag:$0x2] =	sbarrier.arrive $0xFFFF  }
0x23: {  	[sflag:s0] =	ssyncadd.tile.s32 @!p0 $0x1;
	_ =	shalt  }
.Lfunc_end2:
_tile_overlayer_lowered:
.L_overlay_start_2:
0x24: {  	(tag) =	ssettag $0x2  }
0x25: {  	s0 =	rddreg [dreg:$0x0];
	s2 =	stileid.u32  }
0x26: {  	s1 =	rddreg [dreg:$0x1];
	p0 =	sne.s32 s2, $0x0  }
0x27: {  	s3 =	rddreg [dreg:$0x2];
	[bflag:$0x3] =	sbarrier.arrive $0xFFFF;
	s2 =	simm.s32 @!p0 $0x1C01  }
0x28: {  	[timem:s3], [sflag:s2] =	dma.local @!p0 [hbm:s0], s1  }
0x29: {  	s0 =	simm.s32 @!p0 $0x1  }
0x2a: {  	_ =	swait.ge @!p0 [sflag:s0], s1  }
0x2b: {  	s1 =	ssub.s32 @!p0 $0x0, s1;
	[sflag:s0] =	ssyncset.done @!p0 $0x0  }
0x2c: {  	[sflag:s0] =	ssyncadd.s32 @!p0 s1  }
0x2d: {  	[bflag:$0x3] =	sbarrier.arrive $0xFFFF  }
0x2e: {  	_ =	shalt  }

// kernel: _run.7.cloned.1.call-start
scs
__scs_entry_jumppad:
0x0: {  	(pc) =	sbr.rel $0x88, $3  }
0x1: {  	(tag) =	ssettag $0x0;
	lr =	simm.s32 $0x1  }
0x2: {  	[smem:$0x3F83] =	sst lr;
	_ =	strace $0xD0000000  }
0x3: {  	_ = 	snop  }
0x4: {  	_ = 	snop  }
0x5: {  	_ = 	snop  }
0x6: {  	_ = 	snop  }
0x7: {  	_ = 	snop  }
__scs_overlays_trampoline_lowered:
0x8: {  	[smem:$0x3F92] =	sst s0  }
0x9: {  	[smem:$0x3F93] =	sst s1  }
0xa: {  	[smem:$0x3F94] =	sst s2  }
0xb: {  	[smem:$0x3F95] =	sst s3  }
0xc: {  	[smem:$0x3F96] =	sst s4  }
0xd: {  	[smem:$0x3F97] =	sst s5  }
0xe: {  	[smem:$0x3F98] =	sst s6  }
0xf: {  	[smem:$0x3F99] =	sst s7  }
0x10: {  	[smem:$0x3F9A] =	sst s8  }
0x11: {  	[smem:$0x3F9B] =	sst s9;
	s0 =	simm.s32 @!p0 $0x0  }
0x12: {  	s1 =	sld [smem:$0x3F81];
	s0 =	simm.s32 @p0 $0x1  }
0x13: {  	[smem:$0x3F9C] =	sst s0;
	s0 =	simm.s32 @!p1 $0x0  }
0x14: {  	s2 =	sld [smem:$0x3F80];
	s0 =	simm.s32 @p1 $0x1  }
0x15: {  	[smem:$0x3F9D] =	sst s0;
	s0 =	simm.s32 @!p2 $0x0  }
0x16: {  	s3 =	sld [smem:$0x3FDB];
	s0 =	simm.s32 @p2 $0x1  }
0x17: {  	s4 =	simm.s32 $0x1BF5;
	[smem:$0x3F9F] =	sst s0  }
0x18: {  	s0 =	sld [smem:$0x3F82];
	_ =	swait.ge [sflag:s4], $0x0  }
0x19: {  	s7 =	sld [smem:$0x3F83]  }
0x1a: {  	s8 =	sadd.s32 $0xFFFFE003, lr  }
0x1b: {  	s9 =	sadd.s32 $0xFFFFFEF7, lr;
	s5 =	simm.s32 $0xFFFFFFFF;
	p2 =	slt.u32 s8, $0xFFFFF086  }
0x1c: {  	p1 =	slt.u32 s9, $0xF7A;
	s5 =	simm.s32 @!p2 $0x0  }
0x1d: {  	s5 =	simm.s32 @p1 $0x1;
	p0 =	seq.s32 s7, s2  }
0x1e: {  	s7 =	smul.u32 @!p0 $0xF7A, s2;
	p2 =	seq.s32 @!p0 s5, $0x0  }
0x1f: {  	s9 =	smul.u32 $0xF7A, s1;
	s8 =	simm.s32 @!p0 $0x1BF5;
	p2 =	por !p2, p0  }
0x20: {  	[sflag:s8] =	ssyncset.s32 @!p0 $0xFFFFF086;
	s6 =	sadd.s32 @!p0 s3, s7;
	s7 =	simm.s32 @!p0 $0x108  }
0x21: {  	s3 =	sadd.s32 s3, s9;
	s6 =	sadd.s32 @!p0 $0x88, s6;
	s7 =	simm.s32 @p2 $0x1082  }
0x22: {  	[simem:s7], [sflag:s8] =	dma.local @!p0 [hbm:s6], $0xF7A  }
0x23: {  	s9 =	sor.u32 $0xD0000000, s2;
	s6 =	simm.s32 $0x108;
	_ =	swait.ge @!p0 [sflag:s8], $0x0  }
0x24: {  	s3 =	sadd.s32 $0x88, s3;
	s6 =	simm.s32 @!p1 $0x1082;
	[sflag:s4] =	ssyncset.s32 $0xFFFFF086  }
0x25: {  	[simem:s6], [sflag:s4] =	dma.local [hbm:s3], $0xF7A  }
0x26: {  	[smem:$0x3F83] =	sst s1;
	(tag) =	ssettag s2;
	_ =	strace s9  }
0x27: {  	s1 =	sld [smem:$0x3F93]  }
0x28: {  	s2 =	sld [smem:$0x3F94]  }
0x29: {  	s4 =	sld [smem:$0x3F96]  }
0x2a: {  	p0 =	seq.s32 s5, $0x0;
	s5 =	sld [smem:$0x3F97]  }
0x2b: {  	s6 =	sld [smem:$0x3F98]  }
0x2c: {  	s7 =	sld [smem:$0x3F99]  }
0x2d: {  	s3 =	simm.s32 $0x108;
	s8 =	sld [smem:$0x3F9A]  }
0x2e: {  	s3 =	simm.s32 @!p0 $0x1082;
	s9 =	sld [smem:$0x3F9B]  }
0x2f: {  	lr =	sadd.s32 s0, s3;
	s0 =	sld [smem:$0x3F92]  }
0x30: {  	s3 =	sld [smem:$0x3F95]  }
0x31: {  	[smem:$0x3F9E] =	sst s10  }
0x32: {  	s10 =	sld [smem:$0x3F9C];
	_ =	sdelay $0x3  }
0x33: {  	p0 =	seq.s32 s10, $0x1;
	s10 =	sld [smem:$0x3F9E];
	_ =	sdelay $0x3  }
0x34: {  	[smem:$0x3F9E] =	sst s10  }
0x35: {  	s10 =	sld [smem:$0x3F9D];
	_ =	sdelay $0x3  }
0x36: {  	p1 =	seq.s32 s10, $0x1;
	s10 =	sld [smem:$0x3F9E];
	_ =	sdelay $0x3  }
0x37: {  	[smem:$0x3F9E] =	sst s10  }
0x38: {  	s10 =	sld [smem:$0x3F9F]  }
0x39: {  	_ = 	snop;
	(pc) =	sbr.ind lr, $3  }
0x3a: {  	_ = 	snop  }
0x3b: {  	_ = 	snop  }
0x3c: {  	p2 =	seq.s32 s10, $0x1;
	s10 =	sld [smem:$0x3F9E]  }
0x3d: {  	_ =	shalt  }
0x3e: {  	_ =	shalt  }
0x3f: {  	_ =	shalt  }
0x40: {  	_ =	shalt  }
0x41: {  	_ =	shalt  }
0x42: {  	_ =	shalt  }
0x43: {  	_ =	shalt  }
0x44: {  	_ =	shalt  }
0x45: {  	_ =	shalt  }
0x46: {  	_ =	shalt  }
0x47: {  	_ =	shalt  }
0x48: {  	_ =	shalt  }
0x49: {  	_ =	shalt  }
0x4a: {  	_ =	shalt  }
0x4b: {  	_ =	shalt  }
0x4c: {  	_ =	shalt  }
0x4d: {  	_ =	shalt  }
0x4e: {  	_ =	shalt  }
0x4f: {  	_ =	shalt  }
0x50: {  	_ =	shalt  }
0x51: {  	_ =	shalt  }
0x52: {  	_ =	shalt  }
0x53: {  	_ =	shalt  }
0x54: {  	_ =	shalt  }
0x55: {  	_ =	shalt  }
0x56: {  	_ =	shalt  }
0x57: {  	_ =	shalt  }
0x58: {  	_ =	shalt  }
0x59: {  	_ =	shalt  }
0x5a: {  	_ =	shalt  }
0x5b: {  	_ =	shalt  }
0x5c: {  	_ =	shalt  }
0x5d: {  	_ =	shalt  }
0x5e: {  	_ =	shalt  }
0x5f: {  	_ =	shalt  }
0x60: {  	_ =	shalt  }
0x61: {  	_ =	shalt  }
0x62: {  	_ =	shalt  }
0x63: {  	_ =	shalt  }
0x64: {  	_ =	shalt  }
0x65: {  	_ =	shalt  }
0x66: {  	_ =	shalt  }
0x67: {  	_ =	shalt  }
0x68: {  	_ =	shalt  }
0x69: {  	_ =	shalt  }
0x6a: {  	_ =	shalt  }
0x6b: {  	_ =	shalt  }
0x6c: {  	_ =	shalt  }
0x6d: {  	_ =	shalt  }
0x6e: {  	_ =	shalt  }
0x6f: {  	_ =	shalt  }
0x70: {  	_ =	shalt  }
0x71: {  	_ =	shalt  }
0x72: {  	_ =	shalt  }
0x73: {  	_ =	shalt  }
0x74: {  	_ =	shalt  }
0x75: {  	_ =	shalt  }
0x76: {  	_ =	shalt  }
0x77: {  	_ =	shalt  }
0x78: {  	_ =	shalt  }
0x79: {  	_ =	shalt  }
0x7a: {  	_ =	shalt  }
0x7b: {  	_ =	shalt  }
0x7c: {  	_ =	shalt  }
0x7d: {  	_ =	shalt  }
0x7e: {  	_ =	shalt  }
0x7f: {  	_ =	shalt  }
0x80: {  	_ =	shalt  }
0x81: {  	_ =	shalt  }
0x82: {  	_ =	shalt  }
0x83: {  	_ =	shalt  }
0x84: {  	_ =	shalt  }
0x85: {  	_ =	shalt  }
0x86: {  	_ =	shalt  }
0x87: {  	_ =	shalt  }
.Lfunc_end0:
.L_simem_size_0:
called_computation.1_lowered:
.L_overlay_start_0:
0x88: {  	s2 =	sld [smem:$0x3FD9]  }
0x89: {  	s3 =	sld [smem:$0x3FFE];
	_ =	sdelay $0x1  }
0x8a: {  	s1 =	srdreg.scid  }
0x8b: {  	s0 =	sand.u32 $0x1, s1  }
0x8c: {  	s17 =	sshll.u32 s0, $0xA;
	s2 =	sadd.s32 s3, s2  }
0x8d: {  	s2 =	sadd.s32 s2, s17  }
0x8e: {  	[smem:$0x3FAA] =	sst s2  }
0x8f: {  	_ = 	snop  }
0x90: {  	s2 =	sld [smem:$0x3FAF]  }
0x91: {  	s18 =	sld [smem:$0x3FD0];
	(tm) =	ssettm $0x1  }
0x92: {  	s4 =	sld [smem:$0x3FFB];
	_ =	sdelay $0x3  }
0x93: {  	_ =	strace s4  }
0x94: {  	s4 =	sld [smem:$0x3FFC];
	_ =	sdelay $0x3  }
0x95: {  	_ =	strace s4  }
0x96: {  	s4 =	sld [smem:$0x3FFD];
	_ =	sdelay $0x3  }
0x97: {  	_ =	strace s4  }
0x98: {  	_ =	strace $0x8FFFFFFF  }
0x99: {  	s19 =	sld [smem:$0x3FDB];
	_ =	sdelay $0x1  }
0x9a: {  	s5 =	simm.s32 $_scs_section_size  }
0x9b: {  	s6 =	simm.s32 $_size__tile_overlayer_lowered;
	s7 =	simm.s32 $_tile_overlayer_lowered  }
0x9c: {  	s22 =	simm.s32 $0x1BFF;
	s21 =	sshll.u32 s7, $0x1;
	s4 =	sadd.s32 s5, s19  }
0x9d: {  	s8 =	simm.s32 $0x0;
	s20 =	sshll.u32 s6, $0x1;
	s6 =	sadd.s32 s21, s4  }
0x9e: {  	[timem:s8], [sflag:s22] =	dma.local [hbm:s6], s20  }
0x9f: {  	_ =	swait.ge [sflag:s22], s20  }
0xa0: {  	s5 =	ssub.s32 $0x0, s20;
	[sflag:s22] =	ssyncset.done $0x0  }
0xa1: {  	[sflag:s22] =	ssyncadd.s32 s5;
	_ =	sdelay $0x1  }
0xa2: {  	s23 =	simm.s32 $0x1B8B  }
0xa3: {  	_ =	swait.ge [sflag:s23], $0x1  }
0xa4: {  	[sflag:s23] =	ssyncset.done $0x0  }
0xa5: {  	s25 =	simm.s32 $0x1B8E;
	s24 =	sld [smem:$0x3FFE];
	[sflag:s23] =	ssyncadd.s32 $0xFFFFFFFF  }
0xa6: {  	s26 =	simm.s32 $execute0_lowered;
	[smem:$0x3FD2] =	sst s25  }
0xa7: {  	s6 =	sshll.u32 s26, $0x1;
	_ =	strace $0x80000049;
	[dreg:$0x1] =	wrdreg $0xFFFFFFFF  }
0xa8: {  	s28 =	simm.s32 $_size_execute0_lowered;
	s4 =	sadd.s32 s4, s6;
	[dreg:$0x0] =	wrdreg $0x0  }
0xa9: {  	s6 =	sshll.u32 s28, $0x1;
	[dreg:$0x2] =	wrdreg s4  }
0xaa: {  	[dreg:$0x3] =	wrdreg s6  }
0xab: {  	[dreg:$0x4] =	wrdreg $0xC0  }
0xac: {  	_ =	task [dreg:s8], $0x5FFFF  }
0xad: {  	[dreg:$0x1] =	wrdreg $0xFFFFFFFF  }
0xae: {  	[dreg:$0x0] =	wrdreg $0x60  }
0xaf: {  	[dreg:$0x2] =	wrdreg s24  }
0xb0: {  	[dreg:$0x3] =	wrdreg s2  }
0xb1: {  	[dreg:$0x4] =	wrdreg s18  }
0xb2: {  	[dreg:$0x5] =	wrdreg $0x9  }
0xb3: {  	_ =	task.clear_ibuf [dreg:s8], $0x6FFFF;
	_ =	strace $0x90000049  }
0xb4: {  	s29 =	simm.s32 $0x9;
	_ =	strace $0x8000004B  }
0xb5: {  	_ =	swait.ge [sflag:s29], $0x1  }
0xb6: {  	[sflag:s29] =	ssyncadd.s32 $0xFFFFFFFF  }
0xb7: {  	_ =	strace $0x9000004B  }
0xb8: {  	_ =	sfence  }
0xb9: {  	s30 =	sld [smem:$0x0];
	_ =	sdelay $0x2  }
0xba: {  	s31 =	sshll.u32 s1, $0xD;
	s1 =	sshrl.u32 s1, $0x2  }
0xbb: {  	s3 =	sand.u32 $0x4000, s31;
	s1 =	sadd.s32 s1, s30  }
0xbc: {  	s0 =	sor.u32 s3, s0;
	s1 =	sshll.u32 s1, $0x11  }
0xbd: {  	s0 =	sor.u32 s1, s0  }
0xbe: {  	s0 =	sadd.s32 $0x8F2B, s0  }
0xbf: {  	[sflag:s0] =	ssyncadd.remote.s32 $0x1  }
0xc0: {  	_ =	sfence.sel $0xFFFF  }
0xc1: {  	[dreg:$0x0] =	wrdreg $0xFFFFFFFF;
	(pc) =	sbr.abs _section_cstart, $3  }
0xc2: {  	[dreg:$0x1] =	wrdreg $0xFFFFFFFF  }
0xc3: {  	_ =	task.clear_ibuf [dreg:s8], $0x2FFFF;
	_ =	strace $0x9FFFFFFF  }
0xc4: {  	(tm) =	ssettm $0x7FFFFFFF  }
0xc5: {  	_ =	shalt  }
tec
execute0_lowered:
.L_overlay_start_1:
0x0: {  	(tag) =	ssettag $0x1  }
0x1: {  	s0 =	rddreg [dreg:$0x0]  }
0x2: {  	s1 =	rddreg [dreg:$0x1]  }
0x3: {  	s4 =	rddreg [dreg:$0x2];
	s3 =	srdreg.scid;
	s2 =	simm.s32 $0x0  }
0x4: {  	s6 =	stileid.u32;
	s5 =	sand.u32 $0x1, s3;
	[smem:$0x7FF] =	sst s2  }
0x5: {  	s23 =	sshll.u32 s6, $0xA;
	s3 =	sadd.s32 $0x3E00, s0;
	s24 =	sshll.u32 s5, $0x9  }
0x6: {  	_ =	strace $0x8000004A;
	s5 =	ssub.s32 $0x2, s5;
	s6 =	sor.u32 s24, s23  }
0x7: {  	s25 =	sshrl.u32 s5, $0x1;
	s7 =	sshrl.u32 s6, $0x3;
	s23 =	sadd.s32 s1, s6  }
0x8: {  	s8 =	sadd.s32 s7, s0;
	s0 =	sadd.s32 $0x60400, s0;
	[dreg:$0x14] =	wrdreg s23  }
0x9: {  	s5 =	ssub.s32 s5, s25;
	s25 =	sadd.s32 s4, s7;
	[dreg:$0x4] =	wrdreg s0  }
0xa: {  	s26 =	sadd.s32 $0x53400, s8;
	[dreg:$0x16] =	wrdreg s25  }
0xb: {  	s9 =	sadd.s32 $0x53C00, s8;
	[dreg:$0x5] =	wrdreg s26  }
0xc: {  	s10 =	sadd.s32 $0x54400, s8;
	[dreg:$0x6] =	wrdreg s9  }
0xd: {  	s11 =	sadd.s32 $0x54C00, s8;
	[dreg:$0x7] =	wrdreg s10  }
0xe: {  	s12 =	sadd.s32 $0x55400, s8;
	[dreg:$0x8] =	wrdreg s11  }
0xf: {  	s13 =	sadd.s32 $0x55C00, s8;
	[dreg:$0x9] =	wrdreg s12  }
0x10: {  	s6 =	simm.s32 $0xE00;
	s14 =	sadd.s32 $0x56400, s8;
	[dreg:$0xa] =	wrdreg s13  }
0x11: {  	s4 =	smax.u32 s5, $0x1;
	s15 =	sadd.s32 $0x56C00, s8;
	[dreg:$0xb] =	wrdreg s14  }
0x12: {  	s5 =	simm.s32 $0xC00;
	s16 =	sadd.s32 $0x57400, s8;
	[dreg:$0xc] =	wrdreg s15  }
0x13: {  	s7 =	simm.s32 $0x1000;
	s17 =	sadd.s32 $0x57C00, s8;
	[dreg:$0xd] =	wrdreg s16  }
0x14: {  	s18 =	sadd.s32 $0x58400, s8;
	s19 =	sadd.s32 $0x58C00, s8;
	[dreg:$0xe] =	wrdreg s17  }
0x15: {  	s20 =	sadd.s32 $0x59400, s8;
	s21 =	sadd.s32 $0x59C00, s8;
	[dreg:$0xf] =	wrdreg s18  }
0x16: {  	s22 =	sadd.s32 $0x5A400, s8;
	s24 =	sadd.s32 $0x5AC00, s8;
	[dreg:$0x10] =	wrdreg s19  }
0x17: {  	s25 =	sadd.s32 $0x5C400, s8;
	s28 =	sadd.s32 $0x5D400, s8;
	[dreg:$0x11] =	wrdreg s20  }
0x18: {  	s29 =	sadd.s32 $0x5DC00, s8;
	s30 =	sadd.s32 $0x5E400, s8;
	[dreg:$0x12] =	wrdreg s21  }
0x19: {  	s31 =	sadd.s32 $0x5EC00, s8;
	s0 =	sadd.s32 $0x5F400, s8;
	[dreg:$0x13] =	wrdreg s22  }
0x1a: {  	s1 =	sadd.s32 $0x5FC00, s8;
	[dreg:$0x15] =	wrdreg s24;
	s26 =	sadd.s32 $0x5B400, s8  }
0x1b: {  	s24 =	sadd.s32 $0x5BC00, s8;
	s9 =	simm.s32 $0x2800;
	s10 =	simm.s32 $0x1  }
0x1c: {  	s11 =	simm.s32 $0x2;
	s12 =	simm.s32 $0x3;
	s13 =	simm.s32 $0x4  }
0x1d: {  	s14 =	simm.s32 $0x5;
	s15 =	simm.s32 $0x6;
	s16 =	simm.s32 $0x0  }
0x1e: {  	[dreg:$0x17] =	wrdreg s26;
	s26 =	sadd.s32 $0x5CC00, s8;
	s8 =	simm.s32 $0x1C00  }
.LBB2_1:
0x1f: {  	s17 =	rddreg [dreg:$0x5]  }
0x20: {  	[tilespmem:s2], [sflag:$0x1] =	stream.linear.gather [hbm4b:s17+s2], $0x200, $0x38;
	[tilespmem:$0x8A80] =	vst v63  }
0x21: {  	s23 =	rddreg [dreg:$0x6];
	s18 =	simm.s32 $0x200  }
0x22: {  	[tilespmem:s18], [sflag:$0x1] =	stream.linear.gather [hbm4b:s23+s2], $0x200, $0x38;
	[tilespmem:$0x8A80] =	vst v63  }
0x23: {  	s19 =	simm.s32 $0x400;
	s18 =	rddreg [dreg:$0x7]  }
0x24: {  	[tilespmem:s19], [sflag:$0x1] =	stream.linear.gather [hbm4b:s18+s2], $0x200, $0x38;
	[tilespmem:$0x8A80] =	vst v63  }
0x25: {  	s20 =	rddreg [dreg:$0x8];
	s21 =	simm.s32 $0x600  }
0x26: {  	[tilespmem:s21], [sflag:$0x1] =	stream.linear.gather [hbm4b:s20+s2], $0x200, $0x38;
	[tilespmem:$0x8A80] =	vst v63  }
0x27: {  	s22 =	rddreg [dreg:$0x9];
	s23 =	simm.s32 $0x800  }
0x28: {  	[tilespmem:s23], [sflag:$0x1] =	stream.linear.gather [hbm4b:s22+s2], $0x200, $0x38;
	[tilespmem:$0x8A80] =	vst v63  }
0x29: {  	s19 =	rddreg [dreg:$0xa];
	s20 =	simm.s32 $0xA00  }
0x2a: {  	[tilespmem:s20], [sflag:$0x1] =	stream.linear.gather [hbm4b:s19+s2], $0x200, $0x38;
	[tilespmem:$0x8A80] =	vst v63  }
0x2b: {  	s21 =	rddreg [dreg:$0xb]  }
0x2c: {  	[tilespmem:s5], [sflag:$0x1] =	stream.linear.gather [hbm4b:s21+s2], $0x200, $0x38;
	[tilespmem:$0x8A80] =	vst v63  }
0x2d: {  	s22 =	rddreg [dreg:$0xc]  }
0x2e: {  	[tilespmem:s6], [sflag:$0x1] =	stream.linear.gather [hbm4b:s22+s2], $0x200, $0x38;
	[tilespmem:$0x8A80] =	vst v63  }
0x2f: {  	s23 =	rddreg [dreg:$0xd]  }
0x30: {  	[tilespmem:s7], [sflag:$0x1] =	stream.linear.gather [hbm4b:s23+s2], $0x200, $0x38;
	[tilespmem:$0x8A80] =	vst v63  }
0x31: {  	s18 =	rddreg [dreg:$0xe];
	s19 =	simm.s32 $0x1200  }
0x32: {  	[tilespmem:s19], [sflag:$0x1] =	stream.linear.gather [hbm4b:s18+s2], $0x200, $0x38;
	[tilespmem:$0x8A80] =	vst v63  }
0x33: {  	s20 =	rddreg [dreg:$0xf];
	s21 =	simm.s32 $0x1400  }
0x34: {  	[tilespmem:s21], [sflag:$0x1] =	stream.linear.gather [hbm4b:s20+s2], $0x200, $0x38;
	[tilespmem:$0x8A80] =	vst v63  }
0x35: {  	s22 =	rddreg [dreg:$0x10];
	s23 =	simm.s32 $0x1600  }
0x36: {  	[tilespmem:s23], [sflag:$0x1] =	stream.linear.gather [hbm4b:s22+s2], $0x200, $0x38;
	[tilespmem:$0x8A80] =	vst v63  }
0x37: {  	s19 =	rddreg [dreg:$0x11];
	s20 =	simm.s32 $0x1800  }
0x38: {  	[tilespmem:s20], [sflag:$0x1] =	stream.linear.gather [hbm4b:s19+s2], $0x200, $0x38;
	[tilespmem:$0x8A80] =	vst v63  }
0x39: {  	s21 =	rddreg [dreg:$0x12];
	s22 =	simm.s32 $0x1A00  }
0x3a: {  	[tilespmem:s22], [sflag:$0x1] =	stream.linear.gather [hbm4b:s21+s2], $0x200, $0x38;
	[tilespmem:$0x8A80] =	vst v63  }
0x3b: {  	s23 =	rddreg [dreg:$0x13]  }
0x3c: {  	[tilespmem:s8], [sflag:$0x1] =	stream.linear.gather [hbm4b:s23+s2], $0x200, $0x38;
	[tilespmem:$0x8A80] =	vst v63  }
0x3d: {  	s18 =	rddreg [dreg:$0x15];
	s19 =	simm.s32 $0x1E00  }
0x3e: {  	[tilespmem:s19], [sflag:$0x1] =	stream.linear.gather [hbm4b:s18+s2], $0x200, $0x38;
	[tilespmem:$0x8A80] =	vst v63  }
0x3f: {  	s20 =	rddreg [dreg:$0x17];
	s21 =	simm.s32 $0x2000  }
0x40: {  	[tilespmem:s21], [sflag:$0x1] =	stream.linear.gather [hbm4b:s20+s2], $0x200, $0x38;
	[tilespmem:$0x8A80] =	vst v63  }
0x41: {  	s22 =	simm.s32 $0x2200  }
0x42: {  	[tilespmem:s22], [sflag:$0x1] =	stream.linear.gather [hbm4b:s24+s2], $0x200, $0x38;
	[tilespmem:$0x8A80] =	vst v63  }
0x43: {  	s23 =	simm.s32 $0x2400  }
0x44: {  	[tilespmem:s23], [sflag:$0x1] =	stream.linear.gather [hbm4b:s25+s2], $0x200, $0x38;
	[tilespmem:$0x8A80] =	vst v63  }
0x45: {  	s18 =	simm.s32 $0x2600  }
0x46: {  	[tilespmem:s18], [sflag:$0x1] =	stream.linear.gather [hbm4b:s26+s2], $0x200, $0x38;
	[tilespmem:$0x8A80] =	vst v63  }
0x47: {  	_ = 	snop  }
0x48: {  	[tilespmem:s9], [sflag:$0x1] =	stream.linear.gather [hbm4b:s28+s2], $0x200, $0x38;
	[tilespmem:$0x8A80] =	vst v63  }
0x49: {  	s19 =	simm.s32 $0x2A00  }
0x4a: {  	[tilespmem:s19], [sflag:$0x1] =	stream.linear.gather [hbm4b:s29+s2], $0x200, $0x38;
	[tilespmem:$0x8A80] =	vst v63  }
0x4b: {  	s20 =	simm.s32 $0x2C00  }
0x4c: {  	[tilespmem:s20], [sflag:$0x1] =	stream.linear.gather [hbm4b:s30+s2], $0x200, $0x38;
	[tilespmem:$0x8A80] =	vst v63  }
0x4d: {  	s21 =	simm.s32 $0x2E00  }
0x4e: {  	[tilespmem:s21], [sflag:$0x1] =	stream.linear.gather [hbm4b:s31+s2], $0x200, $0x38;
	[tilespmem:$0x8A80] =	vst v63  }
0x4f: {  	s22 =	simm.s32 $0x3000  }
0x50: {  	[tilespmem:s22], [sflag:$0x1] =	stream.linear.gather [hbm4b:s0+s2], $0x200, $0x38;
	[tilespmem:$0x8A80] =	vst v63  }
0x51: {  	s23 =	simm.s32 $0x3200  }
0x52: {  	[tilespmem:s23], [sflag:$0x1] =	stream.linear.gather [hbm4b:s1+s2], $0x200, $0x38;
	[tilespmem:$0x8A80] =	vst v63  }
0x53: {  	s18 =	rddreg [dreg:$0x14];
	s19 =	simm.s32 $0x6800;
	s20 =	simm.s32 $0x20000  }
0x54: {  	[tilespmem:s19], [sflag:$0x1] =	stream.strided.gather [hbm4b:s18+s7], $0x2000, s20, s7, $0x38;
	[tilespmem:$0x8A80] =	vst v63  }
0x55: {  	s21 =	rddreg [dreg:$0x4];
	s22 =	simm.s32 $0x8800  }
0x56: {  	[tilespmem:s22], [sflag:$0x1] =	stream.linear.gather [hbm4b:s21+s2], $0x80, $0x38;
	[tilespmem:$0x8A80] =	vst v63  }
0x57: {  	_ =	swait.ge [sflag:s10], $0x200  }
0x58: {  	[sflag:s10] =	ssyncset.done $0x0  }
0x59: {  	[sflag:s10] =	ssyncadd.s32 $0xFFFFFE00  }
0x5a: {  	_ =	swait.ge [sflag:s10], $0x200  }
0x5b: {  	[sflag:s10] =	ssyncset.done $0x0  }
0x5c: {  	[sflag:s10] =	ssyncadd.s32 $0xFFFFFE00  }
0x5d: {  	_ =	swait.ge [sflag:s10], $0x200  }
0x5e: {  	[sflag:s10] =	ssyncset.done $0x0  }
0x5f: {  	[sflag:s10] =	ssyncadd.s32 $0xFFFFFE00  }
0x60: {  	_ =	swait.ge [sflag:s10], $0x200  }
0x61: {  	[sflag:s10] =	ssyncset.done $0x0  }
0x62: {  	[sflag:s10] =	ssyncadd.s32 $0xFFFFFE00  }
0x63: {  	_ =	swait.ge [sflag:s10], $0x200  }
0x64: {  	[sflag:s10] =	ssyncset.done $0x0  }
0x65: {  	[sflag:s10] =	ssyncadd.s32 $0xFFFFFE00  }
0x66: {  	_ =	swait.ge [sflag:s10], $0x200  }
0x67: {  	[sflag:s10] =	ssyncset.done $0x0  }
0x68: {  	[sflag:s10] =	ssyncadd.s32 $0xFFFFFE00  }
0x69: {  	_ =	swait.ge [sflag:s10], $0x200  }
0x6a: {  	[sflag:s10] =	ssyncset.done $0x0  }
0x6b: {  	s17 =	simm.s32 $0x3400;
	[sflag:s10] =	ssyncadd.s32 $0xFFFFFE00  }
0x6c: {  	[tilespmem:s17], [sflag:$0x2] =	stream.indirect.gather [hbm4b:s3+s6], $0x1, s2, s6, $0xb8;
	[tilespmem:$0x8A80] =	vst v63  }
0x6d: {  	_ =	swait.ge [sflag:s10], $0x200  }
0x6e: {  	[sflag:s10] =	ssyncset.done $0x0  }
0x6f: {  	[sflag:s10] =	ssyncadd.s32 $0xFFFFFE00  }
0x70: {  	_ =	swait.ge [sflag:s10], $0x200  }
0x71: {  	[sflag:s10] =	ssyncset.done $0x0  }
0x72: {  	[sflag:s10] =	ssyncadd.s32 $0xFFFFFE00  }
0x73: {  	_ =	swait.ge [sflag:s10], $0x200  }
0x74: {  	[sflag:s10] =	ssyncset.done $0x0  }
0x75: {  	[sflag:s10] =	ssyncadd.s32 $0xFFFFFE00  }
0x76: {  	_ =	swait.ge [sflag:s10], $0x200  }
0x77: {  	[sflag:s10] =	ssyncset.done $0x0  }
0x78: {  	[sflag:s10] =	ssyncadd.s32 $0xFFFFFE00  }
0x79: {  	_ =	swait.ge [sflag:s10], $0x200  }
0x7a: {  	[sflag:s10] =	ssyncset.done $0x0  }
0x7b: {  	[sflag:s10] =	ssyncadd.s32 $0xFFFFFE00  }
0x7c: {  	_ =	swait.ge [sflag:s10], $0x200  }
0x7d: {  	[sflag:s10] =	ssyncset.done $0x0  }
0x7e: {  	[sflag:s10] =	ssyncadd.s32 $0xFFFFFE00  }
0x7f: {  	_ =	swait.ge [sflag:s10], $0x200  }
0x80: {  	[sflag:s10] =	ssyncset.done $0x0  }
0x81: {  	s23 =	simm.s32 $0x4200;
	[sflag:s10] =	ssyncadd.s32 $0xFFFFFE00  }
0x82: {  	[tilespmem:s23], [sflag:$0x3] =	stream.indirect.gather [hbm4b:s3+s6], $0x1, s6, s6, $0xb8;
	[tilespmem:$0x8A80] =	vst v63  }
0x83: {  	_ =	swait.ge [sflag:s10], $0x200  }
0x84: {  	[sflag:s10] =	ssyncset.done $0x0  }
0x85: {  	[sflag:s10] =	ssyncadd.s32 $0xFFFFFE00  }
0x86: {  	_ =	swait.ge [sflag:s10], $0x200  }
0x87: {  	[sflag:s10] =	ssyncset.done $0x0  }
0x88: {  	[sflag:s10] =	ssyncadd.s32 $0xFFFFFE00  }
0x89: {  	_ =	swait.ge [sflag:s10], $0x200  }
0x8a: {  	[sflag:s10] =	ssyncset.done $0x0  }
0x8b: {  	[sflag:s10] =	ssyncadd.s32 $0xFFFFFE00  }
0x8c: {  	_ =	swait.ge [sflag:s10], $0x200  }
0x8d: {  	[sflag:s10] =	ssyncset.done $0x0  }
0x8e: {  	[sflag:s10] =	ssyncadd.s32 $0xFFFFFE00  }
0x8f: {  	_ =	swait.ge [sflag:s10], $0x200  }
0x90: {  	[sflag:s10] =	ssyncset.done $0x0  }
0x91: {  	[sflag:s10] =	ssyncadd.s32 $0xFFFFFE00  }
0x92: {  	_ =	swait.ge [sflag:s10], $0x200  }
0x93: {  	[sflag:s10] =	ssyncset.done $0x0  }
0x94: {  	s19 =	simm.s32 $0x5000;
	[sflag:s10] =	ssyncadd.s32 $0xFFFFFE00  }
0x95: {  	[tilespmem:s19], [sflag:$0x4] =	stream.indirect.gather [hbm4b:s3+s5], $0x1, s8, s5, $0xb8;
	[tilespmem:$0x8A80] =	vst v63  }
0x96: {  	_ =	swait.ge [sflag:s10], $0x200  }
0x97: {  	[sflag:s10] =	ssyncset.done $0x0  }
0x98: {  	[sflag:s10] =	ssyncadd.s32 $0xFFFFFE00  }
0x99: {  	_ =	swait.ge [sflag:s10], $0x200  }
0x9a: {  	[sflag:s10] =	ssyncset.done $0x0  }
0x9b: {  	[sflag:s10] =	ssyncadd.s32 $0xFFFFFE00  }
0x9c: {  	_ =	swait.ge [sflag:s10], $0x200  }
0x9d: {  	[sflag:s10] =	ssyncset.done $0x0  }
0x9e: {  	[sflag:s10] =	ssyncadd.s32 $0xFFFFFE00  }
0x9f: {  	_ =	swait.ge [sflag:s10], $0x200  }
0xa0: {  	[sflag:s10] =	ssyncset.done $0x0  }
0xa1: {  	[sflag:s10] =	ssyncadd.s32 $0xFFFFFE00  }
0xa2: {  	_ =	swait.ge [sflag:s10], $0x200  }
0xa3: {  	[sflag:s10] =	ssyncset.done $0x0  }
0xa4: {  	[sflag:s10] =	ssyncadd.s32 $0xFFFFFE00  }
0xa5: {  	_ =	swait.ge [sflag:s10], $0x200  }
0xa6: {  	[sflag:s10] =	ssyncset.done $0x0  }
0xa7: {  	s20 =	simm.s32 $0x5C00;
	[sflag:s10] =	ssyncadd.s32 $0xFFFFFE00  }
0xa8: {  	[tilespmem:s20], [sflag:$0x5] =	stream.indirect.gather [hbm4b:s3+s5], $0x1, s9, s5, $0xb8;
	[tilespmem:$0x8A80] =	vst v63  }
0xa9: {  	_ =	swait.ge [sflag:s10], $0x2000  }
0xaa: {  	[sflag:s10] =	ssyncset.done $0x0  }
0xab: {  	[sflag:s10] =	ssyncadd.s32 $0xFFFFE000  }
0xac: {  	_ =	swait.ge [sflag:s10], $0x80  }
0xad: {  	[sflag:s10] =	ssyncset.done $0x0  }
0xae: {  	[sflag:s10] =	ssyncadd.s32 $0xFFFFFF80  }
0xaf: {  	v12 =	vld [tilespmem:$0x8800];
	_ =	swait.ge [sflag:s11], $0xE00  }
0xb0: {  	s21 =	sand.u32 $0x70, s2;
	s22 =	sand.u32 $0xC00, s2;
	[sflag:s11] =	ssyncset.done $0x0  }
0xb1: {  	s18 =	sor.u32 s21, s22;
	[sflag:s11] =	ssyncadd.s32 $0xFFFFF200  }
0xb2: {  	v3 =	vld [tilespmem:s18+$0x6800];
	_ =	sdelay $0x1  }
0xb3: {  	v4 =	vld [tilespmem:s18+$0x6880]  }
0xb4: {  	v1 =	vbroadcast v12, $0x0  }
0xb5: {  	v5 =	vld [tilespmem:s18+$0x6900];
	v0 =	vbroadcast v12, $0xD  }
0xb6: {  	v2 =	vbroadcast v12, $0x1;
	v6 =	vmul.f32 v3, v1  }
0xb7: {  	v7 =	vld [tilespmem:s18+$0x6980]  }
0xb8: {  	v3 =	vbroadcast v12, $0x2;
	v8 =	vmul.f32 v4, v2;
	v6 =	vadd.f32 v6, v0  }
0xb9: {  	v9 =	vld [tilespmem:s18+$0x6A00]  }
0xba: {  	v4 =	vbroadcast v12, $0x3;
	v6 =	vadd.f32 v8, v6;
	v8 =	vmul.f32 v5, v3  }
0xbb: {  	v10 =	vld [tilespmem:s18+$0x6A80]  }
0xbc: {  	v7 =	vmul.f32 v7, v4;
	v5 =	vbroadcast v12, $0x4;
	v8 =	vadd.f32 v8, v6  }
0xbd: {  	v11 =	vld [tilespmem:s18+$0x6B00]  }
0xbe: {  	v6 =	vbroadcast v12, $0x5;
	v9 =	vmul.f32 v9, v5;
	v8 =	vadd.f32 v7, v8  }
0xbf: {  	v13 =	vld [tilespmem:s18+$0x6B80]  }
0xc0: {  	v7 =	vbroadcast v12, $0x6;
	v10 =	vmul.f32 v10, v6;
	v9 =	vadd.f32 v9, v8  }
0xc1: {  	v14 =	vld [tilespmem:s18+$0x7800]  }
0xc2: {  	v8 =	vbroadcast v12, $0x7;
	v11 =	vmul.f32 v11, v7;
	v10 =	vadd.f32 v10, v9  }
0xc3: {  	v15 =	vld [tilespmem:s18+$0x7880]  }
0xc4: {  	v9 =	vbroadcast v12, $0x8;
	v13 =	vmul.f32 v13, v8;
	v11 =	vadd.f32 v11, v10  }
0xc5: {  	v16 =	vld [tilespmem:s18+$0x7900]  }
0xc6: {  	v10 =	vbroadcast v12, $0x9;
	v14 =	vmul.f32 v14, v9;
	v13 =	vadd.f32 v13, v11  }
0xc7: {  	v17 =	vld [tilespmem:s18+$0x7980]  }
0xc8: {  	v11 =	vbroadcast v12, $0xA;
	v15 =	vmul.f32 v15, v10;
	v14 =	vadd.f32 v14, v13  }
0xc9: {  	v18 =	vld [tilespmem:s18+$0x7A00]  }
0xca: {  	v13 =	vbroadcast v12, $0xB;
	v14 =	vadd.f32 v15, v14;
	v15 =	vmul.f32 v16, v11;
	_ =	sdelay $0x1  }
0xcb: {  	v12 =	vbroadcast v12, $0xC;
	v14 =	vadd.f32 v15, v14;
	v15 =	vmul.f32 v17, v13  }
0xcc: {  	v59 =	vld [tilespmem:s17+$0x0]  }
0xcd: {  	s23 =	sand.u32 $0x1F0, s2;
	v14 =	vadd.f32 v15, v14;
	v15 =	vmul.f32 v18, v12  }
0xce: {  	v60 =	vld [tilespmem:s23+$0x3600]  }
0xcf: {  	v14 =	vadd.f32 v15, v14  }
0xd0: {  	v15 =	vld [tilespmem:s23+$0x3800]  }
0xd1: {  	v14 =	vadd.f32 v14, v59  }
0xd2: {  	v61 =	vld [tilespmem:s23+$0x3A00]  }
0xd3: {  	v14 =	vadd.f32 v14, v60  }
0xd4: {  	v62 =	vld [tilespmem:s23+$0x3C00]  }
0xd5: {  	v14 =	vadd.f32 v14, v15  }
0xd6: {  	v15 =	vld [tilespmem:s23+$0x3E00]  }
0xd7: {  	v14 =	vadd.f32 v14, v61  }
0xd8: {  	v63 =	vld [tilespmem:s23+$0x4000]  }
0xd9: {  	v14 =	vadd.f32 v14, v62;
	_ =	sdelay $0x1  }
0xda: {  	v14 =	vadd.f32 v14, v15;
	_ =	sdelay $0x1  }
0xdb: {  	s21 =	simm.s32 $0x20;
	s19 =	simm.s32 $0x10;
	s20 =	simm.s32 $0x80;
	v14 =	vadd.f32 v14, v63  }
0xdc: {  	s22 =	sand.u32 $0x70, s19;
	s18 =	simm.s32 $0x8880;
	s23 =	sand.u32 $0xC00, s20  }
.LBB2_2:
0xdd: {  	p0 =	sne.s32 s21, $0x1F0;
	s22 =	sor.u32 s22, s23;
	[tilespmem:s18+$0x0] =	vst v14  }
0xde: {  	v14 =	vld [tilespmem:s22+$0x6800];
	_ =	sdelay $0x1  }
0xdf: {  	v15 =	vld [tilespmem:s22+$0x6880];
	_ =	sdelay $0x1  }
0xe0: {  	v16 =	vld [tilespmem:s22+$0x6900]  }
0xe1: {  	v14 =	vmul.f32 v14, v1  }
0xe2: {  	v17 =	vld [tilespmem:s22+$0x6980]  }
0xe3: {  	v14 =	vadd.f32 v14, v0;
	v15 =	vmul.f32 v15, v2  }
0xe4: {  	v18 =	vld [tilespmem:s22+$0x6A00]  }
0xe5: {  	v14 =	vadd.f32 v15, v14;
	v15 =	vmul.f32 v16, v3  }
0xe6: {  	v16 =	vld [tilespmem:s22+$0x6A80]  }
0xe7: {  	v14 =	vadd.f32 v15, v14;
	v15 =	vmul.f32 v17, v4  }
0xe8: {  	v17 =	vld [tilespmem:s22+$0x6B00]  }
0xe9: {  	v14 =	vadd.f32 v15, v14;
	v15 =	vmul.f32 v18, v5  }
0xea: {  	v18 =	vld [tilespmem:s22+$0x6B80]  }
0xeb: {  	v14 =	vadd.f32 v15, v14;
	v15 =	vmul.f32 v16, v6  }
0xec: {  	v16 =	vld [tilespmem:s22+$0x7800]  }
0xed: {  	v14 =	vadd.f32 v15, v14;
	v15 =	vmul.f32 v17, v7  }
0xee: {  	v17 =	vld [tilespmem:s22+$0x7880]  }
0xef: {  	v14 =	vadd.f32 v15, v14;
	v15 =	vmul.f32 v18, v8  }
0xf0: {  	v18 =	vld [tilespmem:s22+$0x7900]  }
0xf1: {  	v14 =	vadd.f32 v15, v14;
	v15 =	vmul.f32 v16, v9  }
0xf2: {  	v16 =	vld [tilespmem:s22+$0x7980]  }
0xf3: {  	v14 =	vadd.f32 v15, v14;
	v15 =	vmul.f32 v17, v10  }
0xf4: {  	v17 =	vld [tilespmem:s22+$0x7A00]  }
0xf5: {  	v14 =	vadd.f32 v15, v14;
	v15 =	vmul.f32 v18, v11;
	_ =	sdelay $0x1  }
0xf6: {  	s17 =	sadd.s32 $0x10, s17;
	v14 =	vadd.f32 v15, v14;
	v15 =	vmul.f32 v16, v13  }
0xf7: {  	v16 =	vld [tilespmem:s17+$0x0]  }
0xf8: {  	s22 =	sand.u32 $0x1F0, s19;
	s19 =	smov.u32 s21;
	v14 =	vadd.f32 v15, v14;
	v15 =	vmul.f32 v17, v12  }
0xf9: {  	v17 =	vld [tilespmem:s22+$0x3600]  }
0xfa: {  	v14 =	vadd.f32 v15, v14  }
0xfb: {  	v15 =	vld [tilespmem:s22+$0x3800]  }
0xfc: {  	v14 =	vadd.f32 v14, v16  }
0xfd: {  	v16 =	vld [tilespmem:s22+$0x3A00]  }
0xfe: {  	v14 =	vadd.f32 v14, v17  }
0xff: {  	v17 =	vld [tilespmem:s22+$0x3C00]  }
0x100: {  	v14 =	vadd.f32 v14, v15  }
0x101: {  	v15 =	vld [tilespmem:s22+$0x3E00]  }
0x102: {  	v14 =	vadd.f32 v14, v16  }
0x103: {  	v16 =	vld [tilespmem:s22+$0x4000]  }
0x104: {  	v14 =	vadd.f32 v14, v17  }
.Ltmp0:
0x105: {  	(pc) =	sbr.rel @p0 .LBB2_2-.Ltmp0, $3  }
0x106: {  	v14 =	vadd.f32 v14, v15;
	_ =	sdelay $0x1  }
0x107: {  	s20 =	sadd.s32 $0x80, s20;
	s18 =	sadd.s32 $0x10, s18;
	v14 =	vadd.f32 v14, v16  }
0x108: {  	s23 =	sand.u32 $0xC00, s20;
	s21 =	sadd.s32 $0x10, s21;
	s22 =	sand.u32 $0x70, s19  }
0x109: {  	s20 =	sor.u32 s22, s23;
	[tilespmem:s18+$0x0] =	vst v14  }
0x10a: {  	v14 =	vld [tilespmem:s20+$0x6800];
	_ =	sdelay $0x1  }
0x10b: {  	v15 =	vld [tilespmem:s20+$0x6880];
	_ =	sdelay $0x1  }
0x10c: {  	v16 =	vld [tilespmem:s20+$0x6900]  }
0x10d: {  	v1 =	vmul.f32 v14, v1  }
0x10e: {  	v60 =	vld [tilespmem:s20+$0x6980]  }
0x10f: {  	v0 =	vadd.f32 v1, v0;
	v1 =	vmul.f32 v15, v2  }
0x110: {  	v2 =	vld [tilespmem:s20+$0x6A00]  }
0x111: {  	v0 =	vadd.f32 v1, v0;
	v1 =	vmul.f32 v16, v3  }
0x112: {  	v3 =	vld [tilespmem:s20+$0x6A80]  }
0x113: {  	v0 =	vadd.f32 v1, v0;
	v1 =	vmul.f32 v60, v4  }
0x114: {  	v61 =	vld [tilespmem:s20+$0x6B00]  }
0x115: {  	v0 =	vadd.f32 v1, v0;
	v1 =	vmul.f32 v2, v5  }
0x116: {  	v2 =	vld [tilespmem:s20+$0x6B80]  }
0x117: {  	v0 =	vadd.f32 v1, v0;
	v1 =	vmul.f32 v3, v6  }
0x118: {  	v3 =	vld [tilespmem:s20+$0x7800]  }
0x119: {  	v0 =	vadd.f32 v1, v0;
	v1 =	vmul.f32 v61, v7  }
0x11a: {  	v62 =	vld [tilespmem:s20+$0x7880]  }
0x11b: {  	v0 =	vadd.f32 v1, v0;
	v1 =	vmul.f32 v2, v8  }
0x11c: {  	v2 =	vld [tilespmem:s20+$0x7900]  }
0x11d: {  	v0 =	vadd.f32 v1, v0;
	v1 =	vmul.f32 v3, v9  }
0x11e: {  	v3 =	vld [tilespmem:s20+$0x7980]  }
0x11f: {  	v0 =	vadd.f32 v1, v0;
	v1 =	vmul.f32 v62, v10  }
0x120: {  	v63 =	vld [tilespmem:s20+$0x7A00]  }
0x121: {  	v0 =	vadd.f32 v1, v0;
	v1 =	vmul.f32 v2, v11;
	_ =	sdelay $0x1  }
0x122: {  	s17 =	sadd.s32 $0x10, s17;
	v0 =	vadd.f32 v1, v0;
	v1 =	vmul.f32 v3, v13  }
0x123: {  	v2 =	vld [tilespmem:s17+$0x0]  }
0x124: {  	s22 =	sand.u32 $0x1F0, s19;
	v0 =	vadd.f32 v1, v0;
	v1 =	vmul.f32 v63, v12  }
0x125: {  	v3 =	vld [tilespmem:s22+$0x3600]  }
0x126: {  	v0 =	vadd.f32 v1, v0  }
0x127: {  	v1 =	vld [tilespmem:s22+$0x3800]  }
0x128: {  	v0 =	vadd.f32 v0, v2  }
0x129: {  	v2 =	vld [tilespmem:s22+$0x3A00]  }
0x12a: {  	v0 =	vadd.f32 v0, v3  }
0x12b: {  	v3 =	vld [tilespmem:s22+$0x3C00]  }
0x12c: {  	v0 =	vadd.f32 v0, v1  }
0x12d: {  	v1 =	vld [tilespmem:s22+$0x3E00]  }
0x12e: {  	v0 =	vadd.f32 v0, v2  }
0x12f: {  	v2 =	vld [tilespmem:s22+$0x4000]  }
0x130: {  	v0 =	vadd.f32 v0, v3;
	_ =	sdelay $0x1  }
0x131: {  	v0 =	vadd.f32 v0, v1;
	_ =	sdelay $0x1  }
0x132: {  	v0 =	vadd.f32 v0, v2  }
0x133: {  	s23 =	sadd.s32 $0x10, s18  }
0x134: {  	[tilespmem:s23+$0x0] =	vst v0  }
0x135: {  	_ =	swait.ge [sflag:s12], $0xE00  }
0x136: {  	[sflag:s12] =	ssyncset.done $0x0  }
0x137: {  	s18 =	simm.s32 $0x4200;
	[sflag:s12] =	ssyncadd.s32 $0xFFFFF200  }
0x138: {  	s17 =	simm.s32 $0x8880;
	v0 =	vld [tilespmem:s18+$0x0]  }
0x139: {  	s19 =	simm.s32 $0x0;
	s20 =	simm.s32 $0x10;
	v1 =	vld [tilespmem:s17+$0x0]  }
.LBB2_4:
0x13a: {  	p0 =	sne.s32 s20, $0x1F0;
	s21 =	sand.u32 $0x1F0, s19;
	s19 =	smov.u32 s20  }
0x13b: {  	v2 =	vld [tilespmem:s21+$0x4400];
	_ =	sdelay $0x1  }
0x13c: {  	v3 =	vld [tilespmem:s21+$0x4600]  }
0x13d: {  	v0 =	vadd.f32 v0, v1  }
0x13e: {  	v1 =	vld [tilespmem:s21+$0x4800]  }
0x13f: {  	v0 =	vadd.f32 v2, v0  }
0x140: {  	v2 =	vld [tilespmem:s21+$0x4A00]  }
0x141: {  	v0 =	vadd.f32 v3, v0  }
0x142: {  	v3 =	vld [tilespmem:s21+$0x4C00]  }
0x143: {  	v0 =	vadd.f32 v1, v0  }
0x144: {  	v1 =	vld [tilespmem:s21+$0x4E00]  }
0x145: {  	v0 =	vadd.f32 v2, v0;
	_ =	sdelay $0x1  }
0x146: {  	v0 =	vadd.f32 v3, v0;
	_ =	sdelay $0x1  }
.Ltmp1:
0x147: {  	v0 =	vadd.f32 v1, v0;
	(pc) =	sbr.rel @p0 .LBB2_4-.Ltmp1, $4  }
0x148: {  	_ = 	snop  }
0x149: {  	s18 =	sadd.s32 $0x10, s18;
	[tilespmem:s17+$0x0] =	vst v0  }
0x14a: {  	s17 =	sadd.s32 $0x10, s17;
	v0 =	vld [tilespmem:s18+$0x0]  }
0x14b: {  	s20 =	sadd.s32 $0x10, s20;
	v1 =	vld [tilespmem:s17+$0x0]  }
0x14c: {  	s18 =	sand.u32 $0x1F0, s19  }
0x14d: {  	v2 =	vld [tilespmem:s18+$0x4400];
	_ =	sdelay $0x1  }
0x14e: {  	v3 =	vld [tilespmem:s18+$0x4600]  }
0x14f: {  	v0 =	vadd.f32 v0, v1  }
0x150: {  	v1 =	vld [tilespmem:s18+$0x4800]  }
0x151: {  	v0 =	vadd.f32 v2, v0  }
0x152: {  	v2 =	vld [tilespmem:s18+$0x4A00]  }
0x153: {  	v0 =	vadd.f32 v3, v0  }
0x154: {  	v3 =	vld [tilespmem:s18+$0x4C00]  }
0x155: {  	v0 =	vadd.f32 v1, v0  }
0x156: {  	v1 =	vld [tilespmem:s18+$0x4E00]  }
0x157: {  	v0 =	vadd.f32 v2, v0;
	_ =	sdelay $0x1  }
0x158: {  	v0 =	vadd.f32 v3, v0;
	_ =	sdelay $0x1  }
0x159: {  	v0 =	vadd.f32 v1, v0;
	_ =	sdelay $0x1  }
0x15a: {  	[tilespmem:s17+$0x0] =	vst v0  }
0x15b: {  	_ =	swait.ge [sflag:s13], $0xC00  }
0x15c: {  	[sflag:s13] =	ssyncset.done $0x0  }
0x15d: {  	s18 =	simm.s32 $0x5000;
	[sflag:s13] =	ssyncadd.s32 $0xFFFFF400  }
0x15e: {  	s17 =	simm.s32 $0x8880;
	v0 =	vld [tilespmem:s18+$0x0]  }
0x15f: {  	s19 =	simm.s32 $0x0;
	s20 =	simm.s32 $0x10;
	v1 =	vld [tilespmem:s17+$0x0]  }
.LBB2_6:
0x160: {  	p0 =	sne.s32 s20, $0x1F0;
	s21 =	sand.u32 $0x1F0, s19;
	s19 =	smov.u32 s20  }
0x161: {  	v2 =	vld [tilespmem:s21+$0x5200];
	_ =	sdelay $0x1  }
0x162: {  	v3 =	vld [tilespmem:s21+$0x5400]  }
0x163: {  	v0 =	vadd.f32 v0, v1  }
0x164: {  	v1 =	vld [tilespmem:s21+$0x5600]  }
0x165: {  	v0 =	vadd.f32 v2, v0  }
0x166: {  	v2 =	vld [tilespmem:s21+$0x5800]  }
0x167: {  	v0 =	vadd.f32 v3, v0  }
0x168: {  	v3 =	vld [tilespmem:s21+$0x5A00]  }
0x169: {  	v0 =	vadd.f32 v1, v0;
	_ =	sdelay $0x1  }
0x16a: {  	v0 =	vadd.f32 v2, v0;
	_ =	sdelay $0x1  }
.Ltmp2:
0x16b: {  	v0 =	vadd.f32 v3, v0;
	(pc) =	sbr.rel @p0 .LBB2_6-.Ltmp2, $4  }
0x16c: {  	_ = 	snop  }
0x16d: {  	s18 =	sadd.s32 $0x10, s18;
	[tilespmem:s17+$0x0] =	vst v0  }
0x16e: {  	s17 =	sadd.s32 $0x10, s17;
	v0 =	vld [tilespmem:s18+$0x0]  }
0x16f: {  	s20 =	sadd.s32 $0x10, s20;
	v1 =	vld [tilespmem:s17+$0x0]  }
0x170: {  	s18 =	sand.u32 $0x1F0, s19  }
0x171: {  	v2 =	vld [tilespmem:s18+$0x5200];
	_ =	sdelay $0x1  }
0x172: {  	v3 =	vld [tilespmem:s18+$0x5400]  }
0x173: {  	v0 =	vadd.f32 v0, v1  }
0x174: {  	v1 =	vld [tilespmem:s18+$0x5600]  }
0x175: {  	v0 =	vadd.f32 v2, v0  }
0x176: {  	v2 =	vld [tilespmem:s18+$0x5800]  }
0x177: {  	v0 =	vadd.f32 v3, v0  }
0x178: {  	v3 =	vld [tilespmem:s18+$0x5A00]  }
0x179: {  	v0 =	vadd.f32 v1, v0;
	_ =	sdelay $0x1  }
0x17a: {  	v0 =	vadd.f32 v2, v0;
	_ =	sdelay $0x1  }
0x17b: {  	v0 =	vadd.f32 v3, v0;
	_ =	sdelay $0x1  }
0x17c: {  	[tilespmem:s17+$0x0] =	vst v0  }
0x17d: {  	_ =	swait.ge [sflag:s14], $0xC00  }
0x17e: {  	[sflag:s14] =	ssyncset.done $0x0  }
0x17f: {  	s18 =	simm.s32 $0x5C00;
	[sflag:s14] =	ssyncadd.s32 $0xFFFFF400  }
0x180: {  	s17 =	simm.s32 $0x8880;
	v0 =	vld [tilespmem:s18+$0x0]  }
0x181: {  	s19 =	simm.s32 $0x0;
	s20 =	simm.s32 $0x10;
	v1 =	vld [tilespmem:s17+$0x0]  }
.LBB2_8:
0x182: {  	p0 =	sne.s32 s20, $0x1F0;
	s21 =	sand.u32 $0x1F0, s19;
	s19 =	smov.u32 s20  }
0x183: {  	v2 =	vld [tilespmem:s21+$0x5E00];
	_ =	sdelay $0x1  }
0x184: {  	v3 =	vld [tilespmem:s21+$0x6000]  }
0x185: {  	v0 =	vadd.f32 v0, v1  }
0x186: {  	v1 =	vld [tilespmem:s21+$0x6200]  }
0x187: {  	v0 =	vadd.f32 v2, v0  }
0x188: {  	v2 =	vld [tilespmem:s21+$0x6400]  }
0x189: {  	v0 =	vadd.f32 v3, v0  }
0x18a: {  	v3 =	vld [tilespmem:s21+$0x6600]  }
0x18b: {  	v0 =	vadd.f32 v1, v0;
	_ =	sdelay $0x1  }
0x18c: {  	v0 =	vadd.f32 v2, v0;
	_ =	sdelay $0x1  }
.Ltmp3:
0x18d: {  	v0 =	vadd.f32 v3, v0;
	(pc) =	sbr.rel @p0 .LBB2_8-.Ltmp3, $4  }
0x18e: {  	_ = 	snop  }
0x18f: {  	s18 =	sadd.s32 $0x10, s18;
	[tilespmem:s17+$0x0] =	vst v0  }
0x190: {  	s17 =	sadd.s32 $0x10, s17;
	v0 =	vld [tilespmem:s18+$0x0]  }
0x191: {  	s20 =	sadd.s32 $0x10, s20;
	v1 =	vld [tilespmem:s17+$0x0]  }
0x192: {  	s18 =	sand.u32 $0x1F0, s19  }
0x193: {  	v2 =	vld [tilespmem:s18+$0x5E00];
	_ =	sdelay $0x1  }
0x194: {  	v3 =	vld [tilespmem:s18+$0x6000]  }
0x195: {  	v0 =	vadd.f32 v0, v1  }
0x196: {  	v61 =	vld [tilespmem:s18+$0x6200]  }
0x197: {  	v0 =	vadd.f32 v2, v0  }
0x198: {  	v62 =	vld [tilespmem:s18+$0x6400]  }
0x199: {  	v0 =	vadd.f32 v3, v0  }
0x19a: {  	v63 =	vld [tilespmem:s18+$0x6600]  }
0x19b: {  	v0 =	vadd.f32 v61, v0;
	_ =	sdelay $0x1  }
0x19c: {  	v0 =	vadd.f32 v62, v0;
	_ =	sdelay $0x1  }
0x19d: {  	s16 =	sadd.s32 $0x1, s16;
	v0 =	vadd.f32 v63, v0  }
0x19e: {  	p0 =	sne.s32 s16, s4  }
.Ltmp4:
0x19f: {  	s22 =	rddreg [dreg:$0x16];
	s23 =	simm.s32 $0x8880;
	[tilespmem:s17+$0x0] =	vst v0;
	(pc) =	sbr.rel @p0 .LBB2_1-.Ltmp4, $4  }
0x1a0: {  	[hbm4b:s22+s2] =	stream.linear.scatter [tilespmem:s23], [sflag:$0x6], $0x200, $0x38;
	[tilespmem:$0x8A80] =	vst v63  }
0x1a1: {  	_ =	swait.ge [sflag:s15], $0x200  }
0x1a2: {  	[sflag:s15] =	ssyncset.done $0x0  }
0x1a3: {  	[sflag:s15] =	ssyncadd.s32 $0xFFFFFE00  }
0x1a4: {  	_ =	sfence.sel $0x180000  }
0x1a5: {  	[bflag:$0x0] =	sbarrier.arrive $0xFFFF  }
0x1a6: {  	_ =	strace $0x9000004A  }
0x1a7: {  	s0 =	stileid.u32;
	[bflag:$0x2] =	sbarrier.arrive $0xFFFF  }
0x1a8: {  	p0 =	sne.s32 s0, $0x0;
	s0 =	rddreg [dreg:$0x3]  }
0x1a9: {  	s0 =	sadd.s32 @!p0 $0x100000, s0  }
0x1aa: {  	[sflag:s0] =	ssyncadd.tile.s32 @!p0 $0x1;
	_ =	shalt  }
.Lfunc_end2:
_tile_overlayer_lowered:
.L_overlay_start_2:
0x1ab: {  	(tag) =	ssettag $0x2  }
0x1ac: {  	s0 =	rddreg [dreg:$0x0];
	s2 =	stileid.u32  }
0x1ad: {  	s1 =	rddreg [dreg:$0x1];
	p0 =	sne.s32 s2, $0x0  }
0x1ae: {  	s3 =	rddreg [dreg:$0x2];
	[bflag:$0x3] =	sbarrier.arrive $0xFFFF;
	s2 =	simm.s32 @!p0 $0x1C06  }
0x1af: {  	[timem:s3], [sflag:s2] =	dma.local @!p0 [hbm:s0], s1  }
0x1b0: {  	s0 =	simm.s32 @!p0 $0x6  }
0x1b1: {  	_ =	swait.ge @!p0 [sflag:s0], s1  }
0x1b2: {  	s1 =	ssub.s32 @!p0 $0x0, s1;
	[sflag:s0] =	ssyncset.done @!p0 $0x0  }
0x1b3: {  	[sflag:s0] =	ssyncadd.s32 @!p0 s1  }
0x1b4: {  	[bflag:$0x3] =	sbarrier.arrive $0xFFFF  }
0x1b5: {  	_ =	shalt  }

</sc_bundles>
